<compile_context>
chip_gen: v7x
topology: tpu7x:2x2x1
jax: 0.10.2.dev20260603
libtpu: 0.0.44.dev20260713+nightly
codegen_flags: <defaults>
</compile_context>

<pallas_src>
import functools

import jax
import jax.numpy as jnp
from jax import lax
from jax.experimental import pallas as pl
from jax.experimental.pallas import tpu as pltpu
from jax.experimental.pallas import tpu_sc as plsc

NC = 2
NS = 16
LANES = 16
CHUNK = 80


def _sc_aggregate(x, src_r, dst_r):
    n, d = x.shape
    nw = NC * NS
    n_groups, gch = src_r.shape[1], src_r.shape[2]
    rows_main = 624
    tail = n - NS * rows_main

    mesh = plsc.VectorSubcoreMesh(core_axis_name="c", subcore_axis_name="s")

    @functools.partial(
        pl.kernel,
        out_type=jax.ShapeDtypeStruct((NC, n, d), jnp.float32),
        mesh=mesh,
        scratch_types=[
            pltpu.VMEM((gch, CHUNK), jnp.int32),
            pltpu.VMEM((gch, CHUNK), jnp.int32),
            pltpu.VMEM((CHUNK, d), jnp.float32),
            pltpu.VMEM((CHUNK, d), jnp.float32),
            pltpu.VMEM((CHUNK, d), jnp.float32),
            pltpu.VMEM_SHARED((n, d), jnp.float32),
            pltpu.SemaphoreType.DMA,
            pltpu.SemaphoreType.DMA,
        ],
    )
    def agg(x_hbm, src_hbm, dst_hbm, out_hbm, src_v, dst_v, rows_v, rows1_v,
            zbuf_v, acc_sh, sem, sem1):
        c = lax.axis_index("c")
        s = lax.axis_index("s")
        w = c * NS + s

        def start_g(k, buf, s_):
            pltpu.async_copy(x_hbm.at[src_v.at[k]], buf, s_)

        def wait_g(k, buf, s_):
            pltpu.make_async_copy(x_hbm.at[src_v.at[k]], buf, s_).wait()

        def scat(k, buf):
            pltpu.sync_copy(buf, acc_sh.at[dst_v.at[k]], add=True)

        pltpu.sync_copy(src_hbm.at[w, 0], src_v)
        pltpu.sync_copy(dst_hbm.at[w, 0], dst_v)
        start_g(0, rows_v, sem)
        start_g(1, rows1_v, sem1)

        zero16 = jnp.zeros((LANES,), jnp.float32)

        def zero_row(i, carry):
            for j in range(d // LANES):
                zbuf_v[i, pl.ds(j * LANES, LANES)] = zero16
            return carry

        lax.fori_loop(0, CHUNK, zero_row, 0)
        for t in range(rows_main // CHUNK):
            pltpu.sync_copy(
                zbuf_v,
                acc_sh.at[pl.ds(s * rows_main + t * CHUNK, CHUNK)])
        rem = rows_main - (rows_main // CHUNK) * CHUNK
        pltpu.sync_copy(
            zbuf_v.at[pl.ds(0, rem)],
            acc_sh.at[pl.ds(s * rows_main + rows_main - rem, rem)])

        @pl.when(s == 0)
        def _zero_tail():
            pltpu.sync_copy(zbuf_v.at[pl.ds(0, tail)],
                            acc_sh.at[pl.ds(NS * rows_main, tail)])

        plsc.subcore_barrier()

        def group(g, carry):
            @pl.when(g > 0)
            def _load_idx():
                pltpu.sync_copy(src_hbm.at[w, g], src_v)
                pltpu.sync_copy(dst_hbm.at[w, g], dst_v)
                start_g(0, rows_v, sem)
                start_g(1, rows1_v, sem1)

            def chunk_pair(j, carry2):
                k0 = 2 * j
                k1 = 2 * j + 1
                wait_g(k0, rows_v, sem)
                scat(k0, rows_v)
                start_g(k0 + 2, rows_v, sem)
                wait_g(k1, rows1_v, sem1)
                scat(k1, rows1_v)
                start_g(k1 + 2, rows1_v, sem1)
                return carry2

            lax.fori_loop(0, (gch - 3) // 2, chunk_pair, 0)
            k = gch - 3
            wait_g(k, rows_v, sem)
            scat(k, rows_v)
            start_g(k + 2, rows_v, sem)
            wait_g(k + 1, rows1_v, sem1)
            scat(k + 1, rows1_v)
            wait_g(k + 2, rows_v, sem)
            scat(k + 2, rows_v)
            return carry

        lax.fori_loop(0, n_groups, group, 0)
        plsc.subcore_barrier()

        pltpu.sync_copy(
            acc_sh.at[pl.ds(s * rows_main, rows_main)],
            out_hbm.at[c, pl.ds(s * rows_main, rows_main)])

        @pl.when(s == 0)
        def _pub_tail():
            pltpu.sync_copy(acc_sh.at[pl.ds(NS * rows_main, tail)],
                            out_hbm.at[c, pl.ds(NS * rows_main, tail)])

    return agg(x, src_r, dst_r)


def _tc_matmuls(partial, w1, w2):
    nc, n, d = partial.shape
    rb = 5000

    def mm(a_ref, w1_ref, w2_ref, o1_ref, o2_ref):
        a = a_ref[0] + a_ref[1]
        o1_ref[...] = jnp.dot(a, w1_ref[...], preferred_element_type=jnp.float32)
        o2_ref[...] = jnp.dot(a, w2_ref[...], preferred_element_type=jnp.float32)

    out1, out2 = pl.pallas_call(
        mm,
        grid=(n // rb,),
        in_specs=[
            pl.BlockSpec((nc, rb, d), lambda i: (0, i, 0)),
            pl.BlockSpec((d, d), lambda i: (0, 0)),
            pl.BlockSpec((d, d), lambda i: (0, 0)),
        ],
        out_specs=[
            pl.BlockSpec((rb, d), lambda i: (i, 0)),
            pl.BlockSpec((rb, d), lambda i: (i, 0)),
        ],
        out_shape=[
            jax.ShapeDtypeStruct((n, d), jnp.float32),
            jax.ShapeDtypeStruct((n, d), jnp.float32),
        ],
    )(partial, w1, w2)
    return out1, out2


def kernel(x, edge_index, W1, W2):
    n, d = x.shape
    e = edge_index.shape[1]
    nw = NC * NS
    per_w = e // nw
    n_chunks = per_w // CHUNK
    n_groups, gch = 5, 25

    src_r = edge_index[0].reshape(nw, n_groups, gch, CHUNK)
    dst_r = edge_index[1].reshape(nw, n_groups, gch, CHUNK)

    partial = _sc_aggregate(x, src_r, dst_r)
    return _tc_matmuls(partial, W1, W2)

# --- scband reference (transcript-rebuilt; emitter-appended) ---
"""Pipeline reference for scband-level-6691559047394 (READ-ONLY COPY).

The authoritative reference and input builder live on the scoring server;
editing this copy changes nothing except your own understanding.
"""

import jax, jax.numpy as jnp
import numpy as np

N_NODES = 10000
N_EDGES = 320000
D_FEAT = 128


def setup_inputs(seed: int = 0) -> dict:
    key = jax.random.key(seed)
    k1, k2, k3, k4 = jax.random.split(key, 4)
    x = jax.random.normal(k1, (N_NODES, D_FEAT), dtype=jnp.float32)
    # edge_index is a fixed neighborhood structure held by each MessagePassing
    # object inside the _Level container (forward only takes x).
    edge_index = jax.random.randint(k2, (2, N_EDGES), 0, N_NODES, dtype=jnp.int32)
    # Each message_passing branch carries its own learned weight matrix.
    W1 = jax.random.normal(k3, (D_FEAT, D_FEAT), dtype=jnp.float32) * 0.05
    W2 = jax.random.normal(k4, (D_FEAT, D_FEAT), dtype=jnp.float32) * 0.05
    return {"x": x, "edge_index": edge_index, "W1": W1, "W2": W2}


def reference(x, edge_index, W1, W2):
    # _Level.forward: iterate over message_passings, collect each mp.forward(x).
    # Each mp is a GCN-style message passing with a fixed neighborhood:
    #   out = scatter_add_{dst}( x[src] @ W )
    src = edge_index[0]
    dst = edge_index[1]

    def mp_forward(W):
        msg = jnp.take(x, src, axis=0) @ W          # gather + transform
        return jax.ops.segment_sum(msg, dst, num_segments=N_NODES)  # scatter-add

    outputs = []
    outputs.append(mp_forward(W1))
    outputs.append(mp_forward(W2))
    return tuple(outputs)

if __name__ == "__main__":
    import jax
    _d = setup_inputs()
    print(jax.jit(kernel)(*tuple(_d.values())))

</pallas_src>

<mosaic_0001>
#map = affine_map<(d0, d1) -> (0, 0)>
#map1 = affine_map<(d0, d1) -> (0, 0, 0, 0)>
#map2 = affine_map<(d0, d1) -> (0, 0, 0)>
module attributes {stable_mosaic.version = 14 : i64} {
  func.func @agg(%arg0: i32, %arg1: i32, %arg2: memref<10000x128xf32, #tpu.memory_space<hbm>>, %arg3: memref<32x5x25x80xi32, #tpu.memory_space<hbm>>, %arg4: memref<32x5x25x80xi32, #tpu.memory_space<hbm>>, %arg5: memref<2x10000x128xf32, #tpu.memory_space<hbm>>, %arg6: memref<25x80xi32, #tpu.memory_space<vmem>>, %arg7: memref<25x80xi32, #tpu.memory_space<vmem>>, %arg8: memref<80x128xf32, #tpu.memory_space<vmem>>, %arg9: memref<80x128xf32, #tpu.memory_space<vmem>>, %arg10: memref<80x128xf32, #tpu.memory_space<vmem>>, %arg11: memref<10000x128xf32, #tpu.memory_space<vmem_shared>>, %arg12: memref<!tpu.dma_semaphore, #tpu.memory_space<semaphore_mem>>, %arg13: memref<!tpu.dma_semaphore, #tpu.memory_space<semaphore_mem>>) attributes {dimension_semantics = [#tpu.dimension_semantics<core_parallel>, #tpu.dimension_semantics<subcore_parallel>], iteration_bounds = array<i64: 2, 16>, scalar_prefetch = 0 : i64, scratch_operands = 8 : i64, tpu.core_type = #tpu.core_type<sc_vector_subcore>, window_params = [{transform_indices = #map}, {transform_indices = #map1}, {transform_indices = #map1}, {transform_indices = #map2}]} {
    %mul3A = arith.constant 16 : i32
    %mul3A_0 = arith.muli %arg0, %mul3A : i32
    %add3A = arith.addi %mul3A_0, %arg1 : i32
    %run_scoped3A = arith.constant 0 : i32
    "tpu.region"() ({
      %run_scoped3A_72 = tpu.sem_alloc : memref<!tpu.dma_semaphore, #tpu.memory_space<semaphore_mem>>
      %dma_start3A_73 = arith.constant 0 : i32
      %dma_start3A_74 = arith.constant 0 : i32
      %dma_start3A_75 = tpu.memref_slice %arg3[%add3A, %run_scoped3A, %dma_start3A_73, %dma_start3A_74] : memref<32x5x25x80xi32, #tpu.memory_space<hbm>> -> memref<1x1x25x80xi32, #tpu.memory_space<hbm>>
      %dma_start3A_76 = tpu.memref_squeeze %dma_start3A_75 : memref<1x1x25x80xi32, #tpu.memory_space<hbm>> -> memref<25x80xi32, #tpu.memory_space<hbm>>
      %dma_start3A_77 = arith.constant 0 : i32
      %dma_start3A_78 = arith.constant 0 : i32
      %dma_start3A_79 = tpu.memref_slice %arg3[%add3A, %run_scoped3A, %dma_start3A_77, %dma_start3A_78] : memref<32x5x25x80xi32, #tpu.memory_space<hbm>> -> memref<1x1x25x80xi32, #tpu.memory_space<hbm>>
      %dma_start3A_80 = tpu.memref_squeeze %dma_start3A_79 : memref<1x1x25x80xi32, #tpu.memory_space<hbm>> -> memref<25x80xi32, #tpu.memory_space<hbm>>
      tpu.enqueue_dma source(%dma_start3A_80 : memref<25x80xi32, #tpu.memory_space<hbm>>) target(%arg6 : memref<25x80xi32, #tpu.memory_space<vmem>>) target_semaphore(%run_scoped3A_72 : memref<!tpu.dma_semaphore, #tpu.memory_space<semaphore_mem>>)
      %dma_wait3A = arith.constant 0 : i32
      %dma_wait3A_81 = arith.constant 0 : i32
      %dma_wait3A_82 = tpu.memref_slice %arg3[%add3A, %run_scoped3A, %dma_wait3A, %dma_wait3A_81] : memref<32x5x25x80xi32, #tpu.memory_space<hbm>> -> memref<1x1x25x80xi32, #tpu.memory_space<hbm>>
      %dma_wait3A_83 = tpu.memref_squeeze %dma_wait3A_82 : memref<1x1x25x80xi32, #tpu.memory_space<hbm>> -> memref<25x80xi32, #tpu.memory_space<hbm>>
      %dma_wait3A_84 = arith.constant 0 : i32
      %dma_wait3A_85 = arith.constant 0 : i32
      %dma_wait3A_86 = tpu.memref_slice %arg3[%add3A, %run_scoped3A, %dma_wait3A_84, %dma_wait3A_85] : memref<32x5x25x80xi32, #tpu.memory_space<hbm>> -> memref<1x1x25x80xi32, #tpu.memory_space<hbm>>
      %dma_wait3A_87 = tpu.memref_squeeze %dma_wait3A_86 : memref<1x1x25x80xi32, #tpu.memory_space<hbm>> -> memref<25x80xi32, #tpu.memory_space<hbm>>
      tpu.wait_dma2 semaphore(%run_scoped3A_72 : memref<!tpu.dma_semaphore, #tpu.memory_space<semaphore_mem>>) src(%dma_wait3A_87 : memref<25x80xi32, #tpu.memory_space<hbm>>) dst(%arg6 : memref<25x80xi32, #tpu.memory_space<vmem>>)
      tpu.yield
    }) : () -> ()
    %run_scoped3A_1 = arith.constant 0 : i32
    "tpu.region"() ({
      %run_scoped3A_72 = tpu.sem_alloc : memref<!tpu.dma_semaphore, #tpu.memory_space<semaphore_mem>>
      %dma_start3A_73 = arith.constant 0 : i32
      %dma_start3A_74 = arith.constant 0 : i32
      %dma_start3A_75 = tpu.memref_slice %arg4[%add3A, %run_scoped3A_1, %dma_start3A_73, %dma_start3A_74] : memref<32x5x25x80xi32, #tpu.memory_space<hbm>> -> memref<1x1x25x80xi32, #tpu.memory_space<hbm>>
      %dma_start3A_76 = tpu.memref_squeeze %dma_start3A_75 : memref<1x1x25x80xi32, #tpu.memory_space<hbm>> -> memref<25x80xi32, #tpu.memory_space<hbm>>
      %dma_start3A_77 = arith.constant 0 : i32
      %dma_start3A_78 = arith.constant 0 : i32
      %dma_start3A_79 = tpu.memref_slice %arg4[%add3A, %run_scoped3A_1, %dma_start3A_77, %dma_start3A_78] : memref<32x5x25x80xi32, #tpu.memory_space<hbm>> -> memref<1x1x25x80xi32, #tpu.memory_space<hbm>>
      %dma_start3A_80 = tpu.memref_squeeze %dma_start3A_79 : memref<1x1x25x80xi32, #tpu.memory_space<hbm>> -> memref<25x80xi32, #tpu.memory_space<hbm>>
      tpu.enqueue_dma source(%dma_start3A_80 : memref<25x80xi32, #tpu.memory_space<hbm>>) target(%arg7 : memref<25x80xi32, #tpu.memory_space<vmem>>) target_semaphore(%run_scoped3A_72 : memref<!tpu.dma_semaphore, #tpu.memory_space<semaphore_mem>>)
      %dma_wait3A = arith.constant 0 : i32
      %dma_wait3A_81 = arith.constant 0 : i32
      %dma_wait3A_82 = tpu.memref_slice %arg4[%add3A, %run_scoped3A_1, %dma_wait3A, %dma_wait3A_81] : memref<32x5x25x80xi32, #tpu.memory_space<hbm>> -> memref<1x1x25x80xi32, #tpu.memory_space<hbm>>
      %dma_wait3A_83 = tpu.memref_squeeze %dma_wait3A_82 : memref<1x1x25x80xi32, #tpu.memory_space<hbm>> -> memref<25x80xi32, #tpu.memory_space<hbm>>
      %dma_wait3A_84 = arith.constant 0 : i32
      %dma_wait3A_85 = arith.constant 0 : i32
      %dma_wait3A_86 = tpu.memref_slice %arg4[%add3A, %run_scoped3A_1, %dma_wait3A_84, %dma_wait3A_85] : memref<32x5x25x80xi32, #tpu.memory_space<hbm>> -> memref<1x1x25x80xi32, #tpu.memory_space<hbm>>
      %dma_wait3A_87 = tpu.memref_squeeze %dma_wait3A_86 : memref<1x1x25x80xi32, #tpu.memory_space<hbm>> -> memref<25x80xi32, #tpu.memory_space<hbm>>
      tpu.wait_dma2 semaphore(%run_scoped3A_72 : memref<!tpu.dma_semaphore, #tpu.memory_space<semaphore_mem>>) src(%dma_wait3A_87 : memref<25x80xi32, #tpu.memory_space<hbm>>) dst(%arg7 : memref<25x80xi32, #tpu.memory_space<vmem>>)
      tpu.yield
    }) : () -> ()
    %dma_start3A = arith.constant 0 : i32
    %dma_start3A_2 = arith.constant 0 : i32
    %dma_start3A_3 = tpu.memref_slice %arg6[%dma_start3A, %dma_start3A_2] : memref<25x80xi32, #tpu.memory_space<vmem>> -> memref<1x80xi32, #tpu.memory_space<vmem>>
    %dma_start3A_4 = tpu.memref_squeeze %dma_start3A_3 : memref<1x80xi32, #tpu.memory_space<vmem>> -> memref<80xi32, #tpu.memory_space<vmem>>
    %dma_start3A_5 = arith.constant 0 : i32
    %dma_start3A_6 = arith.constant 0 : i32
    %dma_start3A_7 = tpu.memref_slice %arg2[%dma_start3A_5, %dma_start3A_6] : memref<10000x128xf32, #tpu.memory_space<hbm>> -> memref<10000x128xf32, #tpu.memory_space<hbm>>
    tpu.enqueue_indirect_dma source(%dma_start3A_7 : memref<10000x128xf32, #tpu.memory_space<hbm>>) target(%arg8 : memref<80x128xf32, #tpu.memory_space<vmem>>) offsets(%dma_start3A_4 : memref<80xi32, #tpu.memory_space<vmem>>) semaphore(%arg12 : memref<!tpu.dma_semaphore, #tpu.memory_space<semaphore_mem>>)
    %dma_start3A_8 = arith.constant 1 : i32
    %dma_start3A_9 = arith.constant 0 : i32
    %dma_start3A_10 = tpu.memref_slice %arg6[%dma_start3A_8, %dma_start3A_9] : memref<25x80xi32, #tpu.memory_space<vmem>> -> memref<1x80xi32, #tpu.memory_space<vmem>>
    %dma_start3A_11 = tpu.memref_squeeze %dma_start3A_10 : memref<1x80xi32, #tpu.memory_space<vmem>> -> memref<80xi32, #tpu.memory_space<vmem>>
    %dma_start3A_12 = arith.constant 0 : i32
    %dma_start3A_13 = arith.constant 0 : i32
    %dma_start3A_14 = tpu.memref_slice %arg2[%dma_start3A_12, %dma_start3A_13] : memref<10000x128xf32, #tpu.memory_space<hbm>> -> memref<10000x128xf32, #tpu.memory_space<hbm>>
    tpu.enqueue_indirect_dma source(%dma_start3A_14 : memref<10000x128xf32, #tpu.memory_space<hbm>>) target(%arg9 : memref<80x128xf32, #tpu.memory_space<vmem>>) offsets(%dma_start3A_11 : memref<80xi32, #tpu.memory_space<vmem>>) semaphore(%arg13 : memref<!tpu.dma_semaphore, #tpu.memory_space<semaphore_mem>>)
    %broadcast_in_dim3A = arith.constant 0.000000e+00 : f32
    %broadcast_in_dim3A_15 = vector.broadcast %broadcast_in_dim3A : f32 to vector<16xf32>
    %scan3A = arith.constant 0 : i32
    %scan3A_16 = arith.constant 0 : i32
    %scan3A_17 = arith.constant 80 : i32
    %scan3A_18 = arith.addi %scan3A_16, %scan3A_17 : i32
    %scan3A_19 = arith.constant 1 : i32
    scf.for %scan3A_72 = %scan3A_16 to %scan3A_18 step %scan3A_19  : i32 {
      %swap3A = arith.index_cast %scan3A_72 : i32 to index
      %swap3A_73 = arith.constant 0 : index
      %swap3A_74 = tpu.vector_load %arg10[%swap3A, %swap3A_73] {strides = array<i32>} : memref<80x128xf32, #tpu.memory_space<vmem>>, vector<1x16xf32>,
      %swap3A_75 = vector.shape_cast %swap3A_74 : vector<1x16xf32> to vector<16xf32>
      %swap3A_76 = vector.shape_cast %broadcast_in_dim3A_15 : vector<16xf32> to vector<1x16xf32>
      tpu.vector_store %arg10[%swap3A, %swap3A_73], %swap3A_76 {strides = array<i32>} : memref<80x128xf32, #tpu.memory_space<vmem>>, vector<1x16xf32>,
      %swap3A_77 = arith.index_cast %scan3A_72 : i32 to index
      %swap3A_78 = arith.constant 16 : index
      %swap3A_79 = tpu.vector_load %arg10[%swap3A_77, %swap3A_78] {strides = array<i32>} : memref<80x128xf32, #tpu.memory_space<vmem>>, vector<1x16xf32>,
      %swap3A_80 = vector.shape_cast %swap3A_79 : vector<1x16xf32> to vector<16xf32>
      %swap3A_81 = vector.shape_cast %broadcast_in_dim3A_15 : vector<16xf32> to vector<1x16xf32>
      tpu.vector_store %arg10[%swap3A_77, %swap3A_78], %swap3A_81 {strides = array<i32>} : memref<80x128xf32, #tpu.memory_space<vmem>>, vector<1x16xf32>,
      %swap3A_82 = arith.index_cast %scan3A_72 : i32 to index
      %swap3A_83 = arith.constant 32 : index
      %swap3A_84 = tpu.vector_load %arg10[%swap3A_82, %swap3A_83] {strides = array<i32>} : memref<80x128xf32, #tpu.memory_space<vmem>>, vector<1x16xf32>,
      %swap3A_85 = vector.shape_cast %swap3A_84 : vector<1x16xf32> to vector<16xf32>
      %swap3A_86 = vector.shape_cast %broadcast_in_dim3A_15 : vector<16xf32> to vector<1x16xf32>
      tpu.vector_store %arg10[%swap3A_82, %swap3A_83], %swap3A_86 {strides = array<i32>} : memref<80x128xf32, #tpu.memory_space<vmem>>, vector<1x16xf32>,
      %swap3A_87 = arith.index_cast %scan3A_72 : i32 to index
      %swap3A_88 = arith.constant 48 : index
      %swap3A_89 = tpu.vector_load %arg10[%swap3A_87, %swap3A_88] {strides = array<i32>} : memref<80x128xf32, #tpu.memory_space<vmem>>, vector<1x16xf32>,
      %swap3A_90 = vector.shape_cast %swap3A_89 : vector<1x16xf32> to vector<16xf32>
      %swap3A_91 = vector.shape_cast %broadcast_in_dim3A_15 : vector<16xf32> to vector<1x16xf32>
      tpu.vector_store %arg10[%swap3A_87, %swap3A_88], %swap3A_91 {strides = array<i32>} : memref<80x128xf32, #tpu.memory_space<vmem>>, vector<1x16xf32>,
      %swap3A_92 = arith.index_cast %scan3A_72 : i32 to index
      %swap3A_93 = arith.constant 64 : index
      %swap3A_94 = tpu.vector_load %arg10[%swap3A_92, %swap3A_93] {strides = array<i32>} : memref<80x128xf32, #tpu.memory_space<vmem>>, vector<1x16xf32>,
      %swap3A_95 = vector.shape_cast %swap3A_94 : vector<1x16xf32> to vector<16xf32>
      %swap3A_96 = vector.shape_cast %broadcast_in_dim3A_15 : vector<16xf32> to vector<1x16xf32>
      tpu.vector_store %arg10[%swap3A_92, %swap3A_93], %swap3A_96 {strides = array<i32>} : memref<80x128xf32, #tpu.memory_space<vmem>>, vector<1x16xf32>,
      %swap3A_97 = arith.index_cast %scan3A_72 : i32 to index
      %swap3A_98 = arith.constant 80 : index
      %swap3A_99 = tpu.vector_load %arg10[%swap3A_97, %swap3A_98] {strides = array<i32>} : memref<80x128xf32, #tpu.memory_space<vmem>>, vector<1x16xf32>,
      %swap3A_100 = vector.shape_cast %swap3A_99 : vector<1x16xf32> to vector<16xf32>
      %swap3A_101 = vector.shape_cast %broadcast_in_dim3A_15 : vector<16xf32> to vector<1x16xf32>
      tpu.vector_store %arg10[%swap3A_97, %swap3A_98], %swap3A_101 {strides = array<i32>} : memref<80x128xf32, #tpu.memory_space<vmem>>, vector<1x16xf32>,
      %swap3A_102 = arith.index_cast %scan3A_72 : i32 to index
      %swap3A_103 = arith.constant 96 : index
      %swap3A_104 = tpu.vector_load %arg10[%swap3A_102, %swap3A_103] {strides = array<i32>} : memref<80x128xf32, #tpu.memory_space<vmem>>, vector<1x16xf32>,
      %swap3A_105 = vector.shape_cast %swap3A_104 : vector<1x16xf32> to vector<16xf32>
      %swap3A_106 = vector.shape_cast %broadcast_in_dim3A_15 : vector<16xf32> to vector<1x16xf32>
      tpu.vector_store %arg10[%swap3A_102, %swap3A_103], %swap3A_106 {strides = array<i32>} : memref<80x128xf32, #tpu.memory_space<vmem>>, vector<1x16xf32>,
      %swap3A_107 = arith.index_cast %scan3A_72 : i32 to index
      %swap3A_108 = arith.constant 112 : index
      %swap3A_109 = tpu.vector_load %arg10[%swap3A_107, %swap3A_108] {strides = array<i32>} : memref<80x128xf32, #tpu.memory_space<vmem>>, vector<1x16xf32>,
      %swap3A_110 = vector.shape_cast %swap3A_109 : vector<1x16xf32> to vector<16xf32>
      %swap3A_111 = vector.shape_cast %broadcast_in_dim3A_15 : vector<16xf32> to vector<1x16xf32>
      tpu.vector_store %arg10[%swap3A_107, %swap3A_108], %swap3A_111 {strides = array<i32>} : memref<80x128xf32, #tpu.memory_space<vmem>>, vector<1x16xf32>,
    }
    %scan3A_20 = arith.constant 80 : i32
    %mul3A_21 = arith.constant 624 : i32
    %mul3A_22 = arith.muli %arg1, %mul3A_21 : i32
    %add3A_23 = arith.constant 0 : i32
    %add3A_24 = arith.addi %mul3A_22, %add3A_23 : i32
    "tpu.region"() ({
      %run_scoped3A_72 = tpu.sem_alloc : memref<!tpu.dma_semaphore, #tpu.memory_space<semaphore_mem>>
      %dma_start3A_73 = arith.constant 0 : i32
      %dma_start3A_74 = tpu.memref_slice %arg11[%add3A_24, %dma_start3A_73] : memref<10000x128xf32, #tpu.memory_space<vmem_shared>> -> memref<80x128xf32, #tpu.memory_space<vmem_shared>>
      %dma_start3A_75 = arith.constant 0 : i32
      %dma_start3A_76 = tpu.memref_slice %arg11[%add3A_24, %dma_start3A_75] : memref<10000x128xf32, #tpu.memory_space<vmem_shared>> -> memref<80x128xf32, #tpu.memory_space<vmem_shared>>
      tpu.enqueue_dma source(%arg10 : memref<80x128xf32, #tpu.memory_space<vmem>>) target(%dma_start3A_76 : memref<80x128xf32, #tpu.memory_space<vmem_shared>>) target_semaphore(%run_scoped3A_72 : memref<!tpu.dma_semaphore, #tpu.memory_space<semaphore_mem>>)
      %dma_wait3A = arith.constant 0 : i32
      %dma_wait3A_77 = tpu.memref_slice %arg11[%add3A_24, %dma_wait3A] : memref<10000x128xf32, #tpu.memory_space<vmem_shared>> -> memref<80x128xf32, #tpu.memory_space<vmem_shared>>
      %dma_wait3A_78 = arith.constant 0 : i32
      %dma_wait3A_79 = tpu.memref_slice %arg11[%add3A_24, %dma_wait3A_78] : memref<10000x128xf32, #tpu.memory_space<vmem_shared>> -> memref<80x128xf32, #tpu.memory_space<vmem_shared>>
      tpu.wait_dma2 semaphore(%run_scoped3A_72 : memref<!tpu.dma_semaphore, #tpu.memory_space<semaphore_mem>>) src(%arg10 : memref<80x128xf32, #tpu.memory_space<vmem>>) dst(%dma_wait3A_79 : memref<80x128xf32, #tpu.memory_space<vmem_shared>>)
      tpu.yield
    }) : () -> ()
    %mul3A_25 = arith.constant 624 : i32
    %mul3A_26 = arith.muli %arg1, %mul3A_25 : i32
    %add3A_27 = arith.constant 80 : i32
    %add3A_28 = arith.addi %mul3A_26, %add3A_27 : i32
    "tpu.region"() ({
      %run_scoped3A_72 = tpu.sem_alloc : memref<!tpu.dma_semaphore, #tpu.memory_space<semaphore_mem>>
      %dma_start3A_73 = arith.constant 0 : i32
      %dma_start3A_74 = tpu.memref_slice %arg11[%add3A_28, %dma_start3A_73] : memref<10000x128xf32, #tpu.memory_space<vmem_shared>> -> memref<80x128xf32, #tpu.memory_space<vmem_shared>>
      %dma_start3A_75 = arith.constant 0 : i32
      %dma_start3A_76 = tpu.memref_slice %arg11[%add3A_28, %dma_start3A_75] : memref<10000x128xf32, #tpu.memory_space<vmem_shared>> -> memref<80x128xf32, #tpu.memory_space<vmem_shared>>
      tpu.enqueue_dma source(%arg10 : memref<80x128xf32, #tpu.memory_space<vmem>>) target(%dma_start3A_76 : memref<80x128xf32, #tpu.memory_space<vmem_shared>>) target_semaphore(%run_scoped3A_72 : memref<!tpu.dma_semaphore, #tpu.memory_space<semaphore_mem>>)
      %dma_wait3A = arith.constant 0 : i32
      %dma_wait3A_77 = tpu.memref_slice %arg11[%add3A_28, %dma_wait3A] : memref<10000x128xf32, #tpu.memory_space<vmem_shared>> -> memref<80x128xf32, #tpu.memory_space<vmem_shared>>
      %dma_wait3A_78 = arith.constant 0 : i32
      %dma_wait3A_79 = tpu.memref_slice %arg11[%add3A_28, %dma_wait3A_78] : memref<10000x128xf32, #tpu.memory_space<vmem_shared>> -> memref<80x128xf32, #tpu.memory_space<vmem_shared>>
      tpu.wait_dma2 semaphore(%run_scoped3A_72 : memref<!tpu.dma_semaphore, #tpu.memory_space<semaphore_mem>>) src(%arg10 : memref<80x128xf32, #tpu.memory_space<vmem>>) dst(%dma_wait3A_79 : memref<80x128xf32, #tpu.memory_space<vmem_shared>>)
      tpu.yield
    }) : () -> ()
    %mul3A_29 = arith.constant 624 : i32
    %mul3A_30 = arith.muli %arg1, %mul3A_29 : i32
    %add3A_31 = arith.constant 160 : i32
    %add3A_32 = arith.addi %mul3A_30, %add3A_31 : i32
    "tpu.region"() ({
      %run_scoped3A_72 = tpu.sem_alloc : memref<!tpu.dma_semaphore, #tpu.memory_space<semaphore_mem>>
      %dma_start3A_73 = arith.constant 0 : i32
      %dma_start3A_74 = tpu.memref_slice %arg11[%add3A_32, %dma_start3A_73] : memref<10000x128xf32, #tpu.memory_space<vmem_shared>> -> memref<80x128xf32, #tpu.memory_space<vmem_shared>>
      %dma_start3A_75 = arith.constant 0 : i32
      %dma_start3A_76 = tpu.memref_slice %arg11[%add3A_32, %dma_start3A_75] : memref<10000x128xf32, #tpu.memory_space<vmem_shared>> -> memref<80x128xf32, #tpu.memory_space<vmem_shared>>
      tpu.enqueue_dma source(%arg10 : memref<80x128xf32, #tpu.memory_space<vmem>>) target(%dma_start3A_76 : memref<80x128xf32, #tpu.memory_space<vmem_shared>>) target_semaphore(%run_scoped3A_72 : memref<!tpu.dma_semaphore, #tpu.memory_space<semaphore_mem>>)
      %dma_wait3A = arith.constant 0 : i32
      %dma_wait3A_77 = tpu.memref_slice %arg11[%add3A_32, %dma_wait3A] : memref<10000x128xf32, #tpu.memory_space<vmem_shared>> -> memref<80x128xf32, #tpu.memory_space<vmem_shared>>
      %dma_wait3A_78 = arith.constant 0 : i32
      %dma_wait3A_79 = tpu.memref_slice %arg11[%add3A_32, %dma_wait3A_78] : memref<10000x128xf32, #tpu.memory_space<vmem_shared>> -> memref<80x128xf32, #tpu.memory_space<vmem_shared>>
      tpu.wait_dma2 semaphore(%run_scoped3A_72 : memref<!tpu.dma_semaphore, #tpu.memory_space<semaphore_mem>>) src(%arg10 : memref<80x128xf32, #tpu.memory_space<vmem>>) dst(%dma_wait3A_79 : memref<80x128xf32, #tpu.memory_space<vmem_shared>>)
      tpu.yield
    }) : () -> ()
    %mul3A_33 = arith.constant 624 : i32
    %mul3A_34 = arith.muli %arg1, %mul3A_33 : i32
    %add3A_35 = arith.constant 240 : i32
    %add3A_36 = arith.addi %mul3A_34, %add3A_35 : i32
    "tpu.region"() ({
      %run_scoped3A_72 = tpu.sem_alloc : memref<!tpu.dma_semaphore, #tpu.memory_space<semaphore_mem>>
      %dma_start3A_73 = arith.constant 0 : i32
      %dma_start3A_74 = tpu.memref_slice %arg11[%add3A_36, %dma_start3A_73] : memref<10000x128xf32, #tpu.memory_space<vmem_shared>> -> memref<80x128xf32, #tpu.memory_space<vmem_shared>>
      %dma_start3A_75 = arith.constant 0 : i32
      %dma_start3A_76 = tpu.memref_slice %arg11[%add3A_36, %dma_start3A_75] : memref<10000x128xf32, #tpu.memory_space<vmem_shared>> -> memref<80x128xf32, #tpu.memory_space<vmem_shared>>
      tpu.enqueue_dma source(%arg10 : memref<80x128xf32, #tpu.memory_space<vmem>>) target(%dma_start3A_76 : memref<80x128xf32, #tpu.memory_space<vmem_shared>>) target_semaphore(%run_scoped3A_72 : memref<!tpu.dma_semaphore, #tpu.memory_space<semaphore_mem>>)
      %dma_wait3A = arith.constant 0 : i32
      %dma_wait3A_77 = tpu.memref_slice %arg11[%add3A_36, %dma_wait3A] : memref<10000x128xf32, #tpu.memory_space<vmem_shared>> -> memref<80x128xf32, #tpu.memory_space<vmem_shared>>
      %dma_wait3A_78 = arith.constant 0 : i32
      %dma_wait3A_79 = tpu.memref_slice %arg11[%add3A_36, %dma_wait3A_78] : memref<10000x128xf32, #tpu.memory_space<vmem_shared>> -> memref<80x128xf32, #tpu.memory_space<vmem_shared>>
      tpu.wait_dma2 semaphore(%run_scoped3A_72 : memref<!tpu.dma_semaphore, #tpu.memory_space<semaphore_mem>>) src(%arg10 : memref<80x128xf32, #tpu.memory_space<vmem>>) dst(%dma_wait3A_79 : memref<80x128xf32, #tpu.memory_space<vmem_shared>>)
      tpu.yield
    }) : () -> ()
    %mul3A_37 = arith.constant 624 : i32
    %mul3A_38 = arith.muli %arg1, %mul3A_37 : i32
    %add3A_39 = arith.constant 320 : i32
    %add3A_40 = arith.addi %mul3A_38, %add3A_39 : i32
    "tpu.region"() ({
      %run_scoped3A_72 = tpu.sem_alloc : memref<!tpu.dma_semaphore, #tpu.memory_space<semaphore_mem>>
      %dma_start3A_73 = arith.constant 0 : i32
      %dma_start3A_74 = tpu.memref_slice %arg11[%add3A_40, %dma_start3A_73] : memref<10000x128xf32, #tpu.memory_space<vmem_shared>> -> memref<80x128xf32, #tpu.memory_space<vmem_shared>>
      %dma_start3A_75 = arith.constant 0 : i32
      %dma_start3A_76 = tpu.memref_slice %arg11[%add3A_40, %dma_start3A_75] : memref<10000x128xf32, #tpu.memory_space<vmem_shared>> -> memref<80x128xf32, #tpu.memory_space<vmem_shared>>
      tpu.enqueue_dma source(%arg10 : memref<80x128xf32, #tpu.memory_space<vmem>>) target(%dma_start3A_76 : memref<80x128xf32, #tpu.memory_space<vmem_shared>>) target_semaphore(%run_scoped3A_72 : memref<!tpu.dma_semaphore, #tpu.memory_space<semaphore_mem>>)
      %dma_wait3A = arith.constant 0 : i32
      %dma_wait3A_77 = tpu.memref_slice %arg11[%add3A_40, %dma_wait3A] : memref<10000x128xf32, #tpu.memory_space<vmem_shared>> -> memref<80x128xf32, #tpu.memory_space<vmem_shared>>
      %dma_wait3A_78 = arith.constant 0 : i32
      %dma_wait3A_79 = tpu.memref_slice %arg11[%add3A_40, %dma_wait3A_78] : memref<10000x128xf32, #tpu.memory_space<vmem_shared>> -> memref<80x128xf32, #tpu.memory_space<vmem_shared>>
      tpu.wait_dma2 semaphore(%run_scoped3A_72 : memref<!tpu.dma_semaphore, #tpu.memory_space<semaphore_mem>>) src(%arg10 : memref<80x128xf32, #tpu.memory_space<vmem>>) dst(%dma_wait3A_79 : memref<80x128xf32, #tpu.memory_space<vmem_shared>>)
      tpu.yield
    }) : () -> ()
    %mul3A_41 = arith.constant 624 : i32
    %mul3A_42 = arith.muli %arg1, %mul3A_41 : i32
    %add3A_43 = arith.constant 400 : i32
    %add3A_44 = arith.addi %mul3A_42, %add3A_43 : i32
    "tpu.region"() ({
      %run_scoped3A_72 = tpu.sem_alloc : memref<!tpu.dma_semaphore, #tpu.memory_space<semaphore_mem>>
      %dma_start3A_73 = arith.constant 0 : i32
      %dma_start3A_74 = tpu.memref_slice %arg11[%add3A_44, %dma_start3A_73] : memref<10000x128xf32, #tpu.memory_space<vmem_shared>> -> memref<80x128xf32, #tpu.memory_space<vmem_shared>>
      %dma_start3A_75 = arith.constant 0 : i32
      %dma_start3A_76 = tpu.memref_slice %arg11[%add3A_44, %dma_start3A_75] : memref<10000x128xf32, #tpu.memory_space<vmem_shared>> -> memref<80x128xf32, #tpu.memory_space<vmem_shared>>
      tpu.enqueue_dma source(%arg10 : memref<80x128xf32, #tpu.memory_space<vmem>>) target(%dma_start3A_76 : memref<80x128xf32, #tpu.memory_space<vmem_shared>>) target_semaphore(%run_scoped3A_72 : memref<!tpu.dma_semaphore, #tpu.memory_space<semaphore_mem>>)
      %dma_wait3A = arith.constant 0 : i32
      %dma_wait3A_77 = tpu.memref_slice %arg11[%add3A_44, %dma_wait3A] : memref<10000x128xf32, #tpu.memory_space<vmem_shared>> -> memref<80x128xf32, #tpu.memory_space<vmem_shared>>
      %dma_wait3A_78 = arith.constant 0 : i32
      %dma_wait3A_79 = tpu.memref_slice %arg11[%add3A_44, %dma_wait3A_78] : memref<10000x128xf32, #tpu.memory_space<vmem_shared>> -> memref<80x128xf32, #tpu.memory_space<vmem_shared>>
      tpu.wait_dma2 semaphore(%run_scoped3A_72 : memref<!tpu.dma_semaphore, #tpu.memory_space<semaphore_mem>>) src(%arg10 : memref<80x128xf32, #tpu.memory_space<vmem>>) dst(%dma_wait3A_79 : memref<80x128xf32, #tpu.memory_space<vmem_shared>>)
      tpu.yield
    }) : () -> ()
    %mul3A_45 = arith.constant 624 : i32
    %mul3A_46 = arith.muli %arg1, %mul3A_45 : i32
    %add3A_47 = arith.constant 480 : i32
    %add3A_48 = arith.addi %mul3A_46, %add3A_47 : i32
    "tpu.region"() ({
      %run_scoped3A_72 = tpu.sem_alloc : memref<!tpu.dma_semaphore, #tpu.memory_space<semaphore_mem>>
      %dma_start3A_73 = arith.constant 0 : i32
      %dma_start3A_74 = tpu.memref_slice %arg11[%add3A_48, %dma_start3A_73] : memref<10000x128xf32, #tpu.memory_space<vmem_shared>> -> memref<80x128xf32, #tpu.memory_space<vmem_shared>>
      %dma_start3A_75 = arith.constant 0 : i32
      %dma_start3A_76 = tpu.memref_slice %arg11[%add3A_48, %dma_start3A_75] : memref<10000x128xf32, #tpu.memory_space<vmem_shared>> -> memref<80x128xf32, #tpu.memory_space<vmem_shared>>
      tpu.enqueue_dma source(%arg10 : memref<80x128xf32, #tpu.memory_space<vmem>>) target(%dma_start3A_76 : memref<80x128xf32, #tpu.memory_space<vmem_shared>>) target_semaphore(%run_scoped3A_72 : memref<!tpu.dma_semaphore, #tpu.memory_space<semaphore_mem>>)
      %dma_wait3A = arith.constant 0 : i32
      %dma_wait3A_77 = tpu.memref_slice %arg11[%add3A_48, %dma_wait3A] : memref<10000x128xf32, #tpu.memory_space<vmem_shared>> -> memref<80x128xf32, #tpu.memory_space<vmem_shared>>
      %dma_wait3A_78 = arith.constant 0 : i32
      %dma_wait3A_79 = tpu.memref_slice %arg11[%add3A_48, %dma_wait3A_78] : memref<10000x128xf32, #tpu.memory_space<vmem_shared>> -> memref<80x128xf32, #tpu.memory_space<vmem_shared>>
      tpu.wait_dma2 semaphore(%run_scoped3A_72 : memref<!tpu.dma_semaphore, #tpu.memory_space<semaphore_mem>>) src(%arg10 : memref<80x128xf32, #tpu.memory_space<vmem>>) dst(%dma_wait3A_79 : memref<80x128xf32, #tpu.memory_space<vmem_shared>>)
      tpu.yield
    }) : () -> ()
    %mul3A_49 = arith.constant 624 : i32
    %mul3A_50 = arith.muli %arg1, %mul3A_49 : i32
    %add3A_51 = arith.constant 624 : i32
    %add3A_52 = arith.addi %mul3A_50, %add3A_51 : i32
    %sub3A = arith.constant 64 : i32
    %sub3A_53 = arith.subi %add3A_52, %sub3A : i32
    "tpu.region"() ({
      %run_scoped3A_72 = tpu.sem_alloc : memref<!tpu.dma_semaphore, #tpu.memory_space<semaphore_mem>>
      %dma_start3A_73 = arith.constant 0 : i32
      %dma_start3A_74 = arith.constant 0 : i32
      %dma_start3A_75 = tpu.memref_slice %arg10[%dma_start3A_73, %dma_start3A_74] : memref<80x128xf32, #tpu.memory_space<vmem>> -> memref<64x128xf32, #tpu.memory_space<vmem>>
      %dma_start3A_76 = arith.constant 0 : i32
      %dma_start3A_77 = tpu.memref_slice %arg11[%sub3A_53, %dma_start3A_76] : memref<10000x128xf32, #tpu.memory_space<vmem_shared>> -> memref<64x128xf32, #tpu.memory_space<vmem_shared>>
      %dma_start3A_78 = arith.constant 0 : i32
      %dma_start3A_79 = tpu.memref_slice %arg11[%sub3A_53, %dma_start3A_78] : memref<10000x128xf32, #tpu.memory_space<vmem_shared>> -> memref<64x128xf32, #tpu.memory_space<vmem_shared>>
      %dma_start3A_80 = arith.constant 0 : i32
      %dma_start3A_81 = arith.constant 0 : i32
      %dma_start3A_82 = tpu.memref_slice %arg10[%dma_start3A_80, %dma_start3A_81] : memref<80x128xf32, #tpu.memory_space<vmem>> -> memref<64x128xf32, #tpu.memory_space<vmem>>
      tpu.enqueue_dma source(%dma_start3A_82 : memref<64x128xf32, #tpu.memory_space<vmem>>) target(%dma_start3A_79 : memref<64x128xf32, #tpu.memory_space<vmem_shared>>) target_semaphore(%run_scoped3A_72 : memref<!tpu.dma_semaphore, #tpu.memory_space<semaphore_mem>>)
      %dma_wait3A = arith.constant 0 : i32
      %dma_wait3A_83 = arith.constant 0 : i32
      %dma_wait3A_84 = tpu.memref_slice %arg10[%dma_wait3A, %dma_wait3A_83] : memref<80x128xf32, #tpu.memory_space<vmem>> -> memref<64x128xf32, #tpu.memory_space<vmem>>
      %dma_wait3A_85 = arith.constant 0 : i32
      %dma_wait3A_86 = tpu.memref_slice %arg11[%sub3A_53, %dma_wait3A_85] : memref<10000x128xf32, #tpu.memory_space<vmem_shared>> -> memref<64x128xf32, #tpu.memory_space<vmem_shared>>
      %dma_wait3A_87 = arith.constant 0 : i32
      %dma_wait3A_88 = tpu.memref_slice %arg11[%sub3A_53, %dma_wait3A_87] : memref<10000x128xf32, #tpu.memory_space<vmem_shared>> -> memref<64x128xf32, #tpu.memory_space<vmem_shared>>
      %dma_wait3A_89 = arith.constant 0 : i32
      %dma_wait3A_90 = arith.constant 0 : i32
      %dma_wait3A_91 = tpu.memref_slice %arg10[%dma_wait3A_89, %dma_wait3A_90] : memref<80x128xf32, #tpu.memory_space<vmem>> -> memref<64x128xf32, #tpu.memory_space<vmem>>
      tpu.wait_dma2 semaphore(%run_scoped3A_72 : memref<!tpu.dma_semaphore, #tpu.memory_space<semaphore_mem>>) src(%dma_wait3A_91 : memref<64x128xf32, #tpu.memory_space<vmem>>) dst(%dma_wait3A_88 : memref<64x128xf32, #tpu.memory_space<vmem_shared>>)
      tpu.yield
    }) : () -> ()
    %eq3A = arith.constant 0 : i32
    %eq3A_54 = arith.cmpi eq, %arg1, %eq3A : i32
    %convert_element_type3A = arith.extui %eq3A_54 : i1 to i32
    %cond3A = arith.constant 0 : i32
    %cond3A_55 = arith.cmpi ne, %convert_element_type3A, %cond3A : i32
    scf.if %cond3A_55 {
      "tpu.region"() ({
        %run_scoped3A_72 = tpu.sem_alloc : memref<!tpu.dma_semaphore, #tpu.memory_space<semaphore_mem>>
        %dma_start3A_73 = arith.constant 0 : i32
        %dma_start3A_74 = arith.constant 0 : i32
        %dma_start3A_75 = tpu.memref_slice %arg10[%dma_start3A_73, %dma_start3A_74] : memref<80x128xf32, #tpu.memory_space<vmem>> -> memref<16x128xf32, #tpu.memory_space<vmem>>
        %dma_start3A_76 = arith.constant 9984 : i32
        %dma_start3A_77 = arith.constant 0 : i32
        %dma_start3A_78 = tpu.memref_slice %arg11[%dma_start3A_76, %dma_start3A_77] : memref<10000x128xf32, #tpu.memory_space<vmem_shared>> -> memref<16x128xf32, #tpu.memory_space<vmem_shared>>
        %dma_start3A_79 = arith.constant 9984 : i32
        %dma_start3A_80 = arith.constant 0 : i32
        %dma_start3A_81 = tpu.memref_slice %arg11[%dma_start3A_79, %dma_start3A_80] : memref<10000x128xf32, #tpu.memory_space<vmem_shared>> -> memref<16x128xf32, #tpu.memory_space<vmem_shared>>
        %dma_start3A_82 = arith.constant 0 : i32
        %dma_start3A_83 = arith.constant 0 : i32
        %dma_start3A_84 = tpu.memref_slice %arg10[%dma_start3A_82, %dma_start3A_83] : memref<80x128xf32, #tpu.memory_space<vmem>> -> memref<16x128xf32, #tpu.memory_space<vmem>>
        tpu.enqueue_dma source(%dma_start3A_84 : memref<16x128xf32, #tpu.memory_space<vmem>>) target(%dma_start3A_81 : memref<16x128xf32, #tpu.memory_space<vmem_shared>>) target_semaphore(%run_scoped3A_72 : memref<!tpu.dma_semaphore, #tpu.memory_space<semaphore_mem>>)
        %dma_wait3A = arith.constant 0 : i32
        %dma_wait3A_85 = arith.constant 0 : i32
        %dma_wait3A_86 = tpu.memref_slice %arg10[%dma_wait3A, %dma_wait3A_85] : memref<80x128xf32, #tpu.memory_space<vmem>> -> memref<16x128xf32, #tpu.memory_space<vmem>>
        %dma_wait3A_87 = arith.constant 9984 : i32
        %dma_wait3A_88 = arith.constant 0 : i32
        %dma_wait3A_89 = tpu.memref_slice %arg11[%dma_wait3A_87, %dma_wait3A_88] : memref<10000x128xf32, #tpu.memory_space<vmem_shared>> -> memref<16x128xf32, #tpu.memory_space<vmem_shared>>
        %dma_wait3A_90 = arith.constant 9984 : i32
        %dma_wait3A_91 = arith.constant 0 : i32
        %dma_wait3A_92 = tpu.memref_slice %arg11[%dma_wait3A_90, %dma_wait3A_91] : memref<10000x128xf32, #tpu.memory_space<vmem_shared>> -> memref<16x128xf32, #tpu.memory_space<vmem_shared>>
        %dma_wait3A_93 = arith.constant 0 : i32
        %dma_wait3A_94 = arith.constant 0 : i32
        %dma_wait3A_95 = tpu.memref_slice %arg10[%dma_wait3A_93, %dma_wait3A_94] : memref<80x128xf32, #tpu.memory_space<vmem>> -> memref<16x128xf32, #tpu.memory_space<vmem>>
        tpu.wait_dma2 semaphore(%run_scoped3A_72 : memref<!tpu.dma_semaphore, #tpu.memory_space<semaphore_mem>>) src(%dma_wait3A_95 : memref<16x128xf32, #tpu.memory_space<vmem>>) dst(%dma_wait3A_92 : memref<16x128xf32, #tpu.memory_space<vmem_shared>>)
        tpu.yield
      }) : () -> ()
    } else {
    }
    %barrier3A = arith.constant 0 : index
    tpu.barrier barrier_id(%barrier3A)
    %scan3A_56 = arith.constant 0 : i32
    %scan3A_57 = arith.constant 0 : i32
    %scan3A_58 = arith.constant 5 : i32
    %scan3A_59 = arith.addi %scan3A_57, %scan3A_58 : i32
    %scan3A_60 = arith.constant 1 : i32
    scf.for %scan3A_72 = %scan3A_57 to %scan3A_59 step %scan3A_60  : i32 {
      %gt3A = arith.constant 0 : i32
      %gt3A_73 = arith.cmpi sgt, %scan3A_72, %gt3A : i32
      %convert_element_type3A_74 = arith.extui %gt3A_73 : i1 to i32
      %cond3A_75 = arith.constant 0 : i32
      %cond3A_76 = arith.cmpi ne, %convert_element_type3A_74, %cond3A_75 : i32
      scf.if %cond3A_76 {
        "tpu.region"() ({
          %run_scoped3A_127 = tpu.sem_alloc : memref<!tpu.dma_semaphore, #tpu.memory_space<semaphore_mem>>
          %dma_start3A_128 = arith.constant 0 : i32
          %dma_start3A_129 = arith.constant 0 : i32
          %dma_start3A_130 = tpu.memref_slice %arg3[%add3A, %scan3A_72, %dma_start3A_128, %dma_start3A_129] : memref<32x5x25x80xi32, #tpu.memory_space<hbm>> -> memref<1x1x25x80xi32, #tpu.memory_space<hbm>>
          %dma_start3A_131 = tpu.memref_squeeze %dma_start3A_130 : memref<1x1x25x80xi32, #tpu.memory_space<hbm>> -> memref<25x80xi32, #tpu.memory_space<hbm>>
          %dma_start3A_132 = arith.constant 0 : i32
          %dma_start3A_133 = arith.constant 0 : i32
          %dma_start3A_134 = tpu.memref_slice %arg3[%add3A, %scan3A_72, %dma_start3A_132, %dma_start3A_133] : memref<32x5x25x80xi32, #tpu.memory_space<hbm>> -> memref<1x1x25x80xi32, #tpu.memory_space<hbm>>
          %dma_start3A_135 = tpu.memref_squeeze %dma_start3A_134 : memref<1x1x25x80xi32, #tpu.memory_space<hbm>> -> memref<25x80xi32, #tpu.memory_space<hbm>>
          tpu.enqueue_dma source(%dma_start3A_135 : memref<25x80xi32, #tpu.memory_space<hbm>>) target(%arg6 : memref<25x80xi32, #tpu.memory_space<vmem>>) target_semaphore(%run_scoped3A_127 : memref<!tpu.dma_semaphore, #tpu.memory_space<semaphore_mem>>)
          %dma_wait3A_136 = arith.constant 0 : i32
          %dma_wait3A_137 = arith.constant 0 : i32
          %dma_wait3A_138 = tpu.memref_slice %arg3[%add3A, %scan3A_72, %dma_wait3A_136, %dma_wait3A_137] : memref<32x5x25x80xi32, #tpu.memory_space<hbm>> -> memref<1x1x25x80xi32, #tpu.memory_space<hbm>>
          %dma_wait3A_139 = tpu.memref_squeeze %dma_wait3A_138 : memref<1x1x25x80xi32, #tpu.memory_space<hbm>> -> memref<25x80xi32, #tpu.memory_space<hbm>>
          %dma_wait3A_140 = arith.constant 0 : i32
          %dma_wait3A_141 = arith.constant 0 : i32
          %dma_wait3A_142 = tpu.memref_slice %arg3[%add3A, %scan3A_72, %dma_wait3A_140, %dma_wait3A_141] : memref<32x5x25x80xi32, #tpu.memory_space<hbm>> -> memref<1x1x25x80xi32, #tpu.memory_space<hbm>>
          %dma_wait3A_143 = tpu.memref_squeeze %dma_wait3A_142 : memref<1x1x25x80xi32, #tpu.memory_space<hbm>> -> memref<25x80xi32, #tpu.memory_space<hbm>>
          tpu.wait_dma2 semaphore(%run_scoped3A_127 : memref<!tpu.dma_semaphore, #tpu.memory_space<semaphore_mem>>) src(%dma_wait3A_143 : memref<25x80xi32, #tpu.memory_space<hbm>>) dst(%arg6 : memref<25x80xi32, #tpu.memory_space<vmem>>)
          tpu.yield
        }) : () -> ()
        "tpu.region"() ({
          %run_scoped3A_127 = tpu.sem_alloc : memref<!tpu.dma_semaphore, #tpu.memory_space<semaphore_mem>>
          %dma_start3A_128 = arith.constant 0 : i32
          %dma_start3A_129 = arith.constant 0 : i32
          %dma_start3A_130 = tpu.memref_slice %arg4[%add3A, %scan3A_72, %dma_start3A_128, %dma_start3A_129] : memref<32x5x25x80xi32, #tpu.memory_space<hbm>> -> memref<1x1x25x80xi32, #tpu.memory_space<hbm>>
          %dma_start3A_131 = tpu.memref_squeeze %dma_start3A_130 : memref<1x1x25x80xi32, #tpu.memory_space<hbm>> -> memref<25x80xi32, #tpu.memory_space<hbm>>
          %dma_start3A_132 = arith.constant 0 : i32
          %dma_start3A_133 = arith.constant 0 : i32
          %dma_start3A_134 = tpu.memref_slice %arg4[%add3A, %scan3A_72, %dma_start3A_132, %dma_start3A_133] : memref<32x5x25x80xi32, #tpu.memory_space<hbm>> -> memref<1x1x25x80xi32, #tpu.memory_space<hbm>>
          %dma_start3A_135 = tpu.memref_squeeze %dma_start3A_134 : memref<1x1x25x80xi32, #tpu.memory_space<hbm>> -> memref<25x80xi32, #tpu.memory_space<hbm>>
          tpu.enqueue_dma source(%dma_start3A_135 : memref<25x80xi32, #tpu.memory_space<hbm>>) target(%arg7 : memref<25x80xi32, #tpu.memory_space<vmem>>) target_semaphore(%run_scoped3A_127 : memref<!tpu.dma_semaphore, #tpu.memory_space<semaphore_mem>>)
          %dma_wait3A_136 = arith.constant 0 : i32
          %dma_wait3A_137 = arith.constant 0 : i32
          %dma_wait3A_138 = tpu.memref_slice %arg4[%add3A, %scan3A_72, %dma_wait3A_136, %dma_wait3A_137] : memref<32x5x25x80xi32, #tpu.memory_space<hbm>> -> memref<1x1x25x80xi32, #tpu.memory_space<hbm>>
          %dma_wait3A_139 = tpu.memref_squeeze %dma_wait3A_138 : memref<1x1x25x80xi32, #tpu.memory_space<hbm>> -> memref<25x80xi32, #tpu.memory_space<hbm>>
          %dma_wait3A_140 = arith.constant 0 : i32
          %dma_wait3A_141 = arith.constant 0 : i32
          %dma_wait3A_142 = tpu.memref_slice %arg4[%add3A, %scan3A_72, %dma_wait3A_140, %dma_wait3A_141] : memref<32x5x25x80xi32, #tpu.memory_space<hbm>> -> memref<1x1x25x80xi32, #tpu.memory_space<hbm>>
          %dma_wait3A_143 = tpu.memref_squeeze %dma_wait3A_142 : memref<1x1x25x80xi32, #tpu.memory_space<hbm>> -> memref<25x80xi32, #tpu.memory_space<hbm>>
          tpu.wait_dma2 semaphore(%run_scoped3A_127 : memref<!tpu.dma_semaphore, #tpu.memory_space<semaphore_mem>>) src(%dma_wait3A_143 : memref<25x80xi32, #tpu.memory_space<hbm>>) dst(%arg7 : memref<25x80xi32, #tpu.memory_space<vmem>>)
          tpu.yield
        }) : () -> ()
        %dma_start3A_113 = arith.constant 0 : i32
        %dma_start3A_114 = arith.constant 0 : i32
        %dma_start3A_115 = tpu.memref_slice %arg6[%dma_start3A_113, %dma_start3A_114] : memref<25x80xi32, #tpu.memory_space<vmem>> -> memref<1x80xi32, #tpu.memory_space<vmem>>
        %dma_start3A_116 = tpu.memref_squeeze %dma_start3A_115 : memref<1x80xi32, #tpu.memory_space<vmem>> -> memref<80xi32, #tpu.memory_space<vmem>>
        %dma_start3A_117 = arith.constant 0 : i32
        %dma_start3A_118 = arith.constant 0 : i32
        %dma_start3A_119 = tpu.memref_slice %arg2[%dma_start3A_117, %dma_start3A_118] : memref<10000x128xf32, #tpu.memory_space<hbm>> -> memref<10000x128xf32, #tpu.memory_space<hbm>>
        tpu.enqueue_indirect_dma source(%dma_start3A_119 : memref<10000x128xf32, #tpu.memory_space<hbm>>) target(%arg8 : memref<80x128xf32, #tpu.memory_space<vmem>>) offsets(%dma_start3A_116 : memref<80xi32, #tpu.memory_space<vmem>>) semaphore(%arg12 : memref<!tpu.dma_semaphore, #tpu.memory_space<semaphore_mem>>)
        %dma_start3A_120 = arith.constant 1 : i32
        %dma_start3A_121 = arith.constant 0 : i32
        %dma_start3A_122 = tpu.memref_slice %arg6[%dma_start3A_120, %dma_start3A_121] : memref<25x80xi32, #tpu.memory_space<vmem>> -> memref<1x80xi32, #tpu.memory_space<vmem>>
        %dma_start3A_123 = tpu.memref_squeeze %dma_start3A_122 : memref<1x80xi32, #tpu.memory_space<vmem>> -> memref<80xi32, #tpu.memory_space<vmem>>
        %dma_start3A_124 = arith.constant 0 : i32
        %dma_start3A_125 = arith.constant 0 : i32
        %dma_start3A_126 = tpu.memref_slice %arg2[%dma_start3A_124, %dma_start3A_125] : memref<10000x128xf32, #tpu.memory_space<hbm>> -> memref<10000x128xf32, #tpu.memory_space<hbm>>
        tpu.enqueue_indirect_dma source(%dma_start3A_126 : memref<10000x128xf32, #tpu.memory_space<hbm>>) target(%arg9 : memref<80x128xf32, #tpu.memory_space<vmem>>) offsets(%dma_start3A_123 : memref<80xi32, #tpu.memory_space<vmem>>) semaphore(%arg13 : memref<!tpu.dma_semaphore, #tpu.memory_space<semaphore_mem>>)
      } else {
      }
      %scan3A_77 = arith.constant 0 : i32
      %scan3A_78 = arith.constant 0 : i32
      %scan3A_79 = arith.constant 11 : i32
      %scan3A_80 = arith.addi %scan3A_78, %scan3A_79 : i32
      %scan3A_81 = arith.constant 1 : i32
      scf.for %scan3A_113 = %scan3A_78 to %scan3A_80 step %scan3A_81  : i32 {
        %mul3A_114 = arith.constant 2 : i32
        %mul3A_115 = arith.muli %mul3A_114, %scan3A_113 : i32
        %mul3A_116 = arith.constant 2 : i32
        %mul3A_117 = arith.muli %mul3A_116, %scan3A_113 : i32
        %add3A_118 = arith.constant 1 : i32
        %add3A_119 = arith.addi %mul3A_117, %add3A_118 : i32
        %dma_wait3A_120 = arith.constant 0 : i32
        %dma_wait3A_121 = tpu.memref_slice %arg6[%mul3A_115, %dma_wait3A_120] : memref<25x80xi32, #tpu.memory_space<vmem>> -> memref<1x80xi32, #tpu.memory_space<vmem>>
        %dma_wait3A_122 = tpu.memref_squeeze %dma_wait3A_121 : memref<1x80xi32, #tpu.memory_space<vmem>> -> memref<80xi32, #tpu.memory_space<vmem>>
        %dma_wait3A_123 = arith.constant 0 : i32
        %dma_wait3A_124 = arith.constant 0 : i32
        %dma_wait3A_125 = tpu.memref_slice %arg2[%dma_wait3A_123, %dma_wait3A_124] : memref<10000x128xf32, #tpu.memory_space<hbm>> -> memref<10000x128xf32, #tpu.memory_space<hbm>>
        tpu.wait_indirect_dma semaphore(%arg12 : memref<!tpu.dma_semaphore, #tpu.memory_space<semaphore_mem>>) src(%dma_wait3A_125 : memref<10000x128xf32, #tpu.memory_space<hbm>>) dst(%arg8 : memref<80x128xf32, #tpu.memory_space<vmem>>)
        "tpu.region"() ({
          %run_scoped3A_148 = tpu.sem_alloc : memref<!tpu.dma_semaphore, #tpu.memory_space<semaphore_mem>>
          %dma_start3A_149 = arith.constant 0 : i32
          %dma_start3A_150 = tpu.memref_slice %arg7[%mul3A_115, %dma_start3A_149] : memref<25x80xi32, #tpu.memory_space<vmem>> -> memref<1x80xi32, #tpu.memory_space<vmem>>
          %dma_start3A_151 = tpu.memref_squeeze %dma_start3A_150 : memref<1x80xi32, #tpu.memory_space<vmem>> -> memref<80xi32, #tpu.memory_space<vmem>>
          %dma_start3A_152 = arith.constant 0 : i32
          %dma_start3A_153 = arith.constant 0 : i32
          %dma_start3A_154 = tpu.memref_slice %arg11[%dma_start3A_152, %dma_start3A_153] : memref<10000x128xf32, #tpu.memory_space<vmem_shared>> -> memref<10000x128xf32, #tpu.memory_space<vmem_shared>>
          tpu.enqueue_indirect_dma source(%arg8 : memref<80x128xf32, #tpu.memory_space<vmem>>) target(%dma_start3A_154 : memref<10000x128xf32, #tpu.memory_space<vmem_shared>>) offsets(%dma_start3A_151 : memref<80xi32, #tpu.memory_space<vmem>>) semaphore(%run_scoped3A_148 : memref<!tpu.dma_semaphore, #tpu.memory_space<semaphore_mem>>) {add = true}
          %dma_wait3A_155 = arith.constant 0 : i32
          %dma_wait3A_156 = tpu.memref_slice %arg7[%mul3A_115, %dma_wait3A_155] : memref<25x80xi32, #tpu.memory_space<vmem>> -> memref<1x80xi32, #tpu.memory_space<vmem>>
          %dma_wait3A_157 = tpu.memref_squeeze %dma_wait3A_156 : memref<1x80xi32, #tpu.memory_space<vmem>> -> memref<80xi32, #tpu.memory_space<vmem>>
          %dma_wait3A_158 = arith.constant 0 : i32
          %dma_wait3A_159 = arith.constant 0 : i32
          %dma_wait3A_160 = tpu.memref_slice %arg11[%dma_wait3A_158, %dma_wait3A_159] : memref<10000x128xf32, #tpu.memory_space<vmem_shared>> -> memref<10000x128xf32, #tpu.memory_space<vmem_shared>>
          tpu.wait_indirect_dma semaphore(%run_scoped3A_148 : memref<!tpu.dma_semaphore, #tpu.memory_space<semaphore_mem>>) src(%arg8 : memref<80x128xf32, #tpu.memory_space<vmem>>) dst(%dma_wait3A_160 : memref<10000x128xf32, #tpu.memory_space<vmem_shared>>)
          tpu.yield
        }) : () -> ()
        %add3A_126 = arith.constant 2 : i32
        %add3A_127 = arith.addi %mul3A_115, %add3A_126 : i32
        %dma_start3A_128 = arith.constant 0 : i32
        %dma_start3A_129 = tpu.memref_slice %arg6[%add3A_127, %dma_start3A_128] : memref<25x80xi32, #tpu.memory_space<vmem>> -> memref<1x80xi32, #tpu.memory_space<vmem>>
        %dma_start3A_130 = tpu.memref_squeeze %dma_start3A_129 : memref<1x80xi32, #tpu.memory_space<vmem>> -> memref<80xi32, #tpu.memory_space<vmem>>
        %dma_start3A_131 = arith.constant 0 : i32
        %dma_start3A_132 = arith.constant 0 : i32
        %dma_start3A_133 = tpu.memref_slice %arg2[%dma_start3A_131, %dma_start3A_132] : memref<10000x128xf32, #tpu.memory_space<hbm>> -> memref<10000x128xf32, #tpu.memory_space<hbm>>
        tpu.enqueue_indirect_dma source(%dma_start3A_133 : memref<10000x128xf32, #tpu.memory_space<hbm>>) target(%arg8 : memref<80x128xf32, #tpu.memory_space<vmem>>) offsets(%dma_start3A_130 : memref<80xi32, #tpu.memory_space<vmem>>) semaphore(%arg12 : memref<!tpu.dma_semaphore, #tpu.memory_space<semaphore_mem>>)
        %dma_wait3A_134 = arith.constant 0 : i32
        %dma_wait3A_135 = tpu.memref_slice %arg6[%add3A_119, %dma_wait3A_134] : memref<25x80xi32, #tpu.memory_space<vmem>> -> memref<1x80xi32, #tpu.memory_space<vmem>>
        %dma_wait3A_136 = tpu.memref_squeeze %dma_wait3A_135 : memref<1x80xi32, #tpu.memory_space<vmem>> -> memref<80xi32, #tpu.memory_space<vmem>>
        %dma_wait3A_137 = arith.constant 0 : i32
        %dma_wait3A_138 = arith.constant 0 : i32
        %dma_wait3A_139 = tpu.memref_slice %arg2[%dma_wait3A_137, %dma_wait3A_138] : memref<10000x128xf32, #tpu.memory_space<hbm>> -> memref<10000x128xf32, #tpu.memory_space<hbm>>
        tpu.wait_indirect_dma semaphore(%arg13 : memref<!tpu.dma_semaphore, #tpu.memory_space<semaphore_mem>>) src(%dma_wait3A_139 : memref<10000x128xf32, #tpu.memory_space<hbm>>) dst(%arg9 : memref<80x128xf32, #tpu.memory_space<vmem>>)
        "tpu.region"() ({
          %run_scoped3A_148 = tpu.sem_alloc : memref<!tpu.dma_semaphore, #tpu.memory_space<semaphore_mem>>
          %dma_start3A_149 = arith.constant 0 : i32
          %dma_start3A_150 = tpu.memref_slice %arg7[%add3A_119, %dma_start3A_149] : memref<25x80xi32, #tpu.memory_space<vmem>> -> memref<1x80xi32, #tpu.memory_space<vmem>>
          %dma_start3A_151 = tpu.memref_squeeze %dma_start3A_150 : memref<1x80xi32, #tpu.memory_space<vmem>> -> memref<80xi32, #tpu.memory_space<vmem>>
          %dma_start3A_152 = arith.constant 0 : i32
          %dma_start3A_153 = arith.constant 0 : i32
          %dma_start3A_154 = tpu.memref_slice %arg11[%dma_start3A_152, %dma_start3A_153] : memref<10000x128xf32, #tpu.memory_space<vmem_shared>> -> memref<10000x128xf32, #tpu.memory_space<vmem_shared>>
          tpu.enqueue_indirect_dma source(%arg9 : memref<80x128xf32, #tpu.memory_space<vmem>>) target(%dma_start3A_154 : memref<10000x128xf32, #tpu.memory_space<vmem_shared>>) offsets(%dma_start3A_151 : memref<80xi32, #tpu.memory_space<vmem>>) semaphore(%run_scoped3A_148 : memref<!tpu.dma_semaphore, #tpu.memory_space<semaphore_mem>>) {add = true}
          %dma_wait3A_155 = arith.constant 0 : i32
          %dma_wait3A_156 = tpu.memref_slice %arg7[%add3A_119, %dma_wait3A_155] : memref<25x80xi32, #tpu.memory_space<vmem>> -> memref<1x80xi32, #tpu.memory_space<vmem>>
          %dma_wait3A_157 = tpu.memref_squeeze %dma_wait3A_156 : memref<1x80xi32, #tpu.memory_space<vmem>> -> memref<80xi32, #tpu.memory_space<vmem>>
          %dma_wait3A_158 = arith.constant 0 : i32
          %dma_wait3A_159 = arith.constant 0 : i32
          %dma_wait3A_160 = tpu.memref_slice %arg11[%dma_wait3A_158, %dma_wait3A_159] : memref<10000x128xf32, #tpu.memory_space<vmem_shared>> -> memref<10000x128xf32, #tpu.memory_space<vmem_shared>>
          tpu.wait_indirect_dma semaphore(%run_scoped3A_148 : memref<!tpu.dma_semaphore, #tpu.memory_space<semaphore_mem>>) src(%arg9 : memref<80x128xf32, #tpu.memory_space<vmem>>) dst(%dma_wait3A_160 : memref<10000x128xf32, #tpu.memory_space<vmem_shared>>)
          tpu.yield
        }) : () -> ()
        %add3A_140 = arith.constant 2 : i32
        %add3A_141 = arith.addi %add3A_119, %add3A_140 : i32
        %dma_start3A_142 = arith.constant 0 : i32
        %dma_start3A_143 = tpu.memref_slice %arg6[%add3A_141, %dma_start3A_142] : memref<25x80xi32, #tpu.memory_space<vmem>> -> memref<1x80xi32, #tpu.memory_space<vmem>>
        %dma_start3A_144 = tpu.memref_squeeze %dma_start3A_143 : memref<1x80xi32, #tpu.memory_space<vmem>> -> memref<80xi32, #tpu.memory_space<vmem>>
        %dma_start3A_145 = arith.constant 0 : i32
        %dma_start3A_146 = arith.constant 0 : i32
        %dma_start3A_147 = tpu.memref_slice %arg2[%dma_start3A_145, %dma_start3A_146] : memref<10000x128xf32, #tpu.memory_space<hbm>> -> memref<10000x128xf32, #tpu.memory_space<hbm>>
        tpu.enqueue_indirect_dma source(%dma_start3A_147 : memref<10000x128xf32, #tpu.memory_space<hbm>>) target(%arg9 : memref<80x128xf32, #tpu.memory_space<vmem>>) offsets(%dma_start3A_144 : memref<80xi32, #tpu.memory_space<vmem>>) semaphore(%arg13 : memref<!tpu.dma_semaphore, #tpu.memory_space<semaphore_mem>>)
      }
      %scan3A_82 = arith.constant 11 : i32
      %dma_wait3A = arith.constant 22 : i32
      %dma_wait3A_83 = arith.constant 0 : i32
      %dma_wait3A_84 = tpu.memref_slice %arg6[%dma_wait3A, %dma_wait3A_83] : memref<25x80xi32, #tpu.memory_space<vmem>> -> memref<1x80xi32, #tpu.memory_space<vmem>>
      %dma_wait3A_85 = tpu.memref_squeeze %dma_wait3A_84 : memref<1x80xi32, #tpu.memory_space<vmem>> -> memref<80xi32, #tpu.memory_space<vmem>>
      %dma_wait3A_86 = arith.constant 0 : i32
      %dma_wait3A_87 = arith.constant 0 : i32
      %dma_wait3A_88 = tpu.memref_slice %arg2[%dma_wait3A_86, %dma_wait3A_87] : memref<10000x128xf32, #tpu.memory_space<hbm>> -> memref<10000x128xf32, #tpu.memory_space<hbm>>
      tpu.wait_indirect_dma semaphore(%arg12 : memref<!tpu.dma_semaphore, #tpu.memory_space<semaphore_mem>>) src(%dma_wait3A_88 : memref<10000x128xf32, #tpu.memory_space<hbm>>) dst(%arg8 : memref<80x128xf32, #tpu.memory_space<vmem>>)
      %run_scoped3A_89 = arith.constant 22 : i32
      "tpu.region"() ({
        %run_scoped3A_113 = tpu.sem_alloc : memref<!tpu.dma_semaphore, #tpu.memory_space<semaphore_mem>>
        %dma_start3A_114 = arith.constant 0 : i32
        %dma_start3A_115 = tpu.memref_slice %arg7[%run_scoped3A_89, %dma_start3A_114] : memref<25x80xi32, #tpu.memory_space<vmem>> -> memref<1x80xi32, #tpu.memory_space<vmem>>
        %dma_start3A_116 = tpu.memref_squeeze %dma_start3A_115 : memref<1x80xi32, #tpu.memory_space<vmem>> -> memref<80xi32, #tpu.memory_space<vmem>>
        %dma_start3A_117 = arith.constant 0 : i32
        %dma_start3A_118 = arith.constant 0 : i32
        %dma_start3A_119 = tpu.memref_slice %arg11[%dma_start3A_117, %dma_start3A_118] : memref<10000x128xf32, #tpu.memory_space<vmem_shared>> -> memref<10000x128xf32, #tpu.memory_space<vmem_shared>>
        tpu.enqueue_indirect_dma source(%arg8 : memref<80x128xf32, #tpu.memory_space<vmem>>) target(%dma_start3A_119 : memref<10000x128xf32, #tpu.memory_space<vmem_shared>>) offsets(%dma_start3A_116 : memref<80xi32, #tpu.memory_space<vmem>>) semaphore(%run_scoped3A_113 : memref<!tpu.dma_semaphore, #tpu.memory_space<semaphore_mem>>) {add = true}
        %dma_wait3A_120 = arith.constant 0 : i32
        %dma_wait3A_121 = tpu.memref_slice %arg7[%run_scoped3A_89, %dma_wait3A_120] : memref<25x80xi32, #tpu.memory_space<vmem>> -> memref<1x80xi32, #tpu.memory_space<vmem>>
        %dma_wait3A_122 = tpu.memref_squeeze %dma_wait3A_121 : memref<1x80xi32, #tpu.memory_space<vmem>> -> memref<80xi32, #tpu.memory_space<vmem>>
        %dma_wait3A_123 = arith.constant 0 : i32
        %dma_wait3A_124 = arith.constant 0 : i32
        %dma_wait3A_125 = tpu.memref_slice %arg11[%dma_wait3A_123, %dma_wait3A_124] : memref<10000x128xf32, #tpu.memory_space<vmem_shared>> -> memref<10000x128xf32, #tpu.memory_space<vmem_shared>>
        tpu.wait_indirect_dma semaphore(%run_scoped3A_113 : memref<!tpu.dma_semaphore, #tpu.memory_space<semaphore_mem>>) src(%arg8 : memref<80x128xf32, #tpu.memory_space<vmem>>) dst(%dma_wait3A_125 : memref<10000x128xf32, #tpu.memory_space<vmem_shared>>)
        tpu.yield
      }) : () -> ()
      %dma_start3A_90 = arith.constant 24 : i32
      %dma_start3A_91 = arith.constant 0 : i32
      %dma_start3A_92 = tpu.memref_slice %arg6[%dma_start3A_90, %dma_start3A_91] : memref<25x80xi32, #tpu.memory_space<vmem>> -> memref<1x80xi32, #tpu.memory_space<vmem>>
      %dma_start3A_93 = tpu.memref_squeeze %dma_start3A_92 : memref<1x80xi32, #tpu.memory_space<vmem>> -> memref<80xi32, #tpu.memory_space<vmem>>
      %dma_start3A_94 = arith.constant 0 : i32
      %dma_start3A_95 = arith.constant 0 : i32
      %dma_start3A_96 = tpu.memref_slice %arg2[%dma_start3A_94, %dma_start3A_95] : memref<10000x128xf32, #tpu.memory_space<hbm>> -> memref<10000x128xf32, #tpu.memory_space<hbm>>
      tpu.enqueue_indirect_dma source(%dma_start3A_96 : memref<10000x128xf32, #tpu.memory_space<hbm>>) target(%arg8 : memref<80x128xf32, #tpu.memory_space<vmem>>) offsets(%dma_start3A_93 : memref<80xi32, #tpu.memory_space<vmem>>) semaphore(%arg12 : memref<!tpu.dma_semaphore, #tpu.memory_space<semaphore_mem>>)
      %dma_wait3A_97 = arith.constant 23 : i32
      %dma_wait3A_98 = arith.constant 0 : i32
      %dma_wait3A_99 = tpu.memref_slice %arg6[%dma_wait3A_97, %dma_wait3A_98] : memref<25x80xi32, #tpu.memory_space<vmem>> -> memref<1x80xi32, #tpu.memory_space<vmem>>
      %dma_wait3A_100 = tpu.memref_squeeze %dma_wait3A_99 : memref<1x80xi32, #tpu.memory_space<vmem>> -> memref<80xi32, #tpu.memory_space<vmem>>
      %dma_wait3A_101 = arith.constant 0 : i32
      %dma_wait3A_102 = arith.constant 0 : i32
      %dma_wait3A_103 = tpu.memref_slice %arg2[%dma_wait3A_101, %dma_wait3A_102] : memref<10000x128xf32, #tpu.memory_space<hbm>> -> memref<10000x128xf32, #tpu.memory_space<hbm>>
      tpu.wait_indirect_dma semaphore(%arg13 : memref<!tpu.dma_semaphore, #tpu.memory_space<semaphore_mem>>) src(%dma_wait3A_103 : memref<10000x128xf32, #tpu.memory_space<hbm>>) dst(%arg9 : memref<80x128xf32, #tpu.memory_space<vmem>>)
      %run_scoped3A_104 = arith.constant 23 : i32
      "tpu.region"() ({
        %run_scoped3A_113 = tpu.sem_alloc : memref<!tpu.dma_semaphore, #tpu.memory_space<semaphore_mem>>
        %dma_start3A_114 = arith.constant 0 : i32
        %dma_start3A_115 = tpu.memref_slice %arg7[%run_scoped3A_104, %dma_start3A_114] : memref<25x80xi32, #tpu.memory_space<vmem>> -> memref<1x80xi32, #tpu.memory_space<vmem>>
        %dma_start3A_116 = tpu.memref_squeeze %dma_start3A_115 : memref<1x80xi32, #tpu.memory_space<vmem>> -> memref<80xi32, #tpu.memory_space<vmem>>
        %dma_start3A_117 = arith.constant 0 : i32
        %dma_start3A_118 = arith.constant 0 : i32
        %dma_start3A_119 = tpu.memref_slice %arg11[%dma_start3A_117, %dma_start3A_118] : memref<10000x128xf32, #tpu.memory_space<vmem_shared>> -> memref<10000x128xf32, #tpu.memory_space<vmem_shared>>
        tpu.enqueue_indirect_dma source(%arg9 : memref<80x128xf32, #tpu.memory_space<vmem>>) target(%dma_start3A_119 : memref<10000x128xf32, #tpu.memory_space<vmem_shared>>) offsets(%dma_start3A_116 : memref<80xi32, #tpu.memory_space<vmem>>) semaphore(%run_scoped3A_113 : memref<!tpu.dma_semaphore, #tpu.memory_space<semaphore_mem>>) {add = true}
        %dma_wait3A_120 = arith.constant 0 : i32
        %dma_wait3A_121 = tpu.memref_slice %arg7[%run_scoped3A_104, %dma_wait3A_120] : memref<25x80xi32, #tpu.memory_space<vmem>> -> memref<1x80xi32, #tpu.memory_space<vmem>>
        %dma_wait3A_122 = tpu.memref_squeeze %dma_wait3A_121 : memref<1x80xi32, #tpu.memory_space<vmem>> -> memref<80xi32, #tpu.memory_space<vmem>>
        %dma_wait3A_123 = arith.constant 0 : i32
        %dma_wait3A_124 = arith.constant 0 : i32
        %dma_wait3A_125 = tpu.memref_slice %arg11[%dma_wait3A_123, %dma_wait3A_124] : memref<10000x128xf32, #tpu.memory_space<vmem_shared>> -> memref<10000x128xf32, #tpu.memory_space<vmem_shared>>
        tpu.wait_indirect_dma semaphore(%run_scoped3A_113 : memref<!tpu.dma_semaphore, #tpu.memory_space<semaphore_mem>>) src(%arg9 : memref<80x128xf32, #tpu.memory_space<vmem>>) dst(%dma_wait3A_125 : memref<10000x128xf32, #tpu.memory_space<vmem_shared>>)
        tpu.yield
      }) : () -> ()
      %dma_wait3A_105 = arith.constant 24 : i32
      %dma_wait3A_106 = arith.constant 0 : i32
      %dma_wait3A_107 = tpu.memref_slice %arg6[%dma_wait3A_105, %dma_wait3A_106] : memref<25x80xi32, #tpu.memory_space<vmem>> -> memref<1x80xi32, #tpu.memory_space<vmem>>
      %dma_wait3A_108 = tpu.memref_squeeze %dma_wait3A_107 : memref<1x80xi32, #tpu.memory_space<vmem>> -> memref<80xi32, #tpu.memory_space<vmem>>
      %dma_wait3A_109 = arith.constant 0 : i32
      %dma_wait3A_110 = arith.constant 0 : i32
      %dma_wait3A_111 = tpu.memref_slice %arg2[%dma_wait3A_109, %dma_wait3A_110] : memref<10000x128xf32, #tpu.memory_space<hbm>> -> memref<10000x128xf32, #tpu.memory_space<hbm>>
      tpu.wait_indirect_dma semaphore(%arg12 : memref<!tpu.dma_semaphore, #tpu.memory_space<semaphore_mem>>) src(%dma_wait3A_111 : memref<10000x128xf32, #tpu.memory_space<hbm>>) dst(%arg8 : memref<80x128xf32, #tpu.memory_space<vmem>>)
      %run_scoped3A_112 = arith.constant 24 : i32
      "tpu.region"() ({
        %run_scoped3A_113 = tpu.sem_alloc : memref<!tpu.dma_semaphore, #tpu.memory_space<semaphore_mem>>
        %dma_start3A_114 = arith.constant 0 : i32
        %dma_start3A_115 = tpu.memref_slice %arg7[%run_scoped3A_112, %dma_start3A_114] : memref<25x80xi32, #tpu.memory_space<vmem>> -> memref<1x80xi32, #tpu.memory_space<vmem>>
        %dma_start3A_116 = tpu.memref_squeeze %dma_start3A_115 : memref<1x80xi32, #tpu.memory_space<vmem>> -> memref<80xi32, #tpu.memory_space<vmem>>
        %dma_start3A_117 = arith.constant 0 : i32
        %dma_start3A_118 = arith.constant 0 : i32
        %dma_start3A_119 = tpu.memref_slice %arg11[%dma_start3A_117, %dma_start3A_118] : memref<10000x128xf32, #tpu.memory_space<vmem_shared>> -> memref<10000x128xf32, #tpu.memory_space<vmem_shared>>
        tpu.enqueue_indirect_dma source(%arg8 : memref<80x128xf32, #tpu.memory_space<vmem>>) target(%dma_start3A_119 : memref<10000x128xf32, #tpu.memory_space<vmem_shared>>) offsets(%dma_start3A_116 : memref<80xi32, #tpu.memory_space<vmem>>) semaphore(%run_scoped3A_113 : memref<!tpu.dma_semaphore, #tpu.memory_space<semaphore_mem>>) {add = true}
        %dma_wait3A_120 = arith.constant 0 : i32
        %dma_wait3A_121 = tpu.memref_slice %arg7[%run_scoped3A_112, %dma_wait3A_120] : memref<25x80xi32, #tpu.memory_space<vmem>> -> memref<1x80xi32, #tpu.memory_space<vmem>>
        %dma_wait3A_122 = tpu.memref_squeeze %dma_wait3A_121 : memref<1x80xi32, #tpu.memory_space<vmem>> -> memref<80xi32, #tpu.memory_space<vmem>>
        %dma_wait3A_123 = arith.constant 0 : i32
        %dma_wait3A_124 = arith.constant 0 : i32
        %dma_wait3A_125 = tpu.memref_slice %arg11[%dma_wait3A_123, %dma_wait3A_124] : memref<10000x128xf32, #tpu.memory_space<vmem_shared>> -> memref<10000x128xf32, #tpu.memory_space<vmem_shared>>
        tpu.wait_indirect_dma semaphore(%run_scoped3A_113 : memref<!tpu.dma_semaphore, #tpu.memory_space<semaphore_mem>>) src(%arg8 : memref<80x128xf32, #tpu.memory_space<vmem>>) dst(%dma_wait3A_125 : memref<10000x128xf32, #tpu.memory_space<vmem_shared>>)
        tpu.yield
      }) : () -> ()
    }
    %scan3A_61 = arith.constant 5 : i32
    %barrier3A_62 = arith.constant 0 : index
    tpu.barrier barrier_id(%barrier3A_62)
    %mul3A_63 = arith.constant 624 : i32
    %mul3A_64 = arith.muli %arg1, %mul3A_63 : i32
    %mul3A_65 = arith.constant 624 : i32
    %mul3A_66 = arith.muli %arg1, %mul3A_65 : i32
    "tpu.region"() ({
      %run_scoped3A_72 = tpu.sem_alloc : memref<!tpu.dma_semaphore, #tpu.memory_space<semaphore_mem>>
      %dma_start3A_73 = arith.constant 0 : i32
      %dma_start3A_74 = tpu.memref_slice %arg5[%arg0, %mul3A_66, %dma_start3A_73] : memref<2x10000x128xf32, #tpu.memory_space<hbm>> -> memref<1x624x128xf32, #tpu.memory_space<hbm>>
      %dma_start3A_75 = tpu.memref_squeeze %dma_start3A_74 : memref<1x624x128xf32, #tpu.memory_space<hbm>> -> memref<624x128xf32, #tpu.memory_space<hbm>>
      %dma_start3A_76 = arith.constant 0 : i32
      %dma_start3A_77 = tpu.memref_slice %arg11[%mul3A_64, %dma_start3A_76] : memref<10000x128xf32, #tpu.memory_space<vmem_shared>> -> memref<624x128xf32, #tpu.memory_space<vmem_shared>>
      tpu.enqueue_dma source(%dma_start3A_77 : memref<624x128xf32, #tpu.memory_space<vmem_shared>>) target(%dma_start3A_75 : memref<624x128xf32, #tpu.memory_space<hbm>>) target_semaphore(%run_scoped3A_72 : memref<!tpu.dma_semaphore, #tpu.memory_space<semaphore_mem>>)
      %dma_wait3A = arith.constant 0 : i32
      %dma_wait3A_78 = tpu.memref_slice %arg5[%arg0, %mul3A_66, %dma_wait3A] : memref<2x10000x128xf32, #tpu.memory_space<hbm>> -> memref<1x624x128xf32, #tpu.memory_space<hbm>>
      %dma_wait3A_79 = tpu.memref_squeeze %dma_wait3A_78 : memref<1x624x128xf32, #tpu.memory_space<hbm>> -> memref<624x128xf32, #tpu.memory_space<hbm>>
      %dma_wait3A_80 = arith.constant 0 : i32
      %dma_wait3A_81 = tpu.memref_slice %arg11[%mul3A_64, %dma_wait3A_80] : memref<10000x128xf32, #tpu.memory_space<vmem_shared>> -> memref<624x128xf32, #tpu.memory_space<vmem_shared>>
      tpu.wait_dma2 semaphore(%run_scoped3A_72 : memref<!tpu.dma_semaphore, #tpu.memory_space<semaphore_mem>>) src(%dma_wait3A_81 : memref<624x128xf32, #tpu.memory_space<vmem_shared>>) dst(%dma_wait3A_79 : memref<624x128xf32, #tpu.memory_space<hbm>>)
      tpu.yield
    }) : () -> ()
    %eq3A_67 = arith.constant 0 : i32
    %eq3A_68 = arith.cmpi eq, %arg1, %eq3A_67 : i32
    %convert_element_type3A_69 = arith.extui %eq3A_68 : i1 to i32
    %cond3A_70 = arith.constant 0 : i32
    %cond3A_71 = arith.cmpi ne, %convert_element_type3A_69, %cond3A_70 : i32
    scf.if %cond3A_71 {
      "tpu.region"() ({
        %run_scoped3A_72 = tpu.sem_alloc : memref<!tpu.dma_semaphore, #tpu.memory_space<semaphore_mem>>
        %dma_start3A_73 = arith.constant 9984 : i32
        %dma_start3A_74 = arith.constant 0 : i32
        %dma_start3A_75 = tpu.memref_slice %arg5[%arg0, %dma_start3A_73, %dma_start3A_74] : memref<2x10000x128xf32, #tpu.memory_space<hbm>> -> memref<1x16x128xf32, #tpu.memory_space<hbm>>
        %dma_start3A_76 = tpu.memref_squeeze %dma_start3A_75 : memref<1x16x128xf32, #tpu.memory_space<hbm>> -> memref<16x128xf32, #tpu.memory_space<hbm>>
        %dma_start3A_77 = arith.constant 9984 : i32
        %dma_start3A_78 = arith.constant 0 : i32
        %dma_start3A_79 = tpu.memref_slice %arg11[%dma_start3A_77, %dma_start3A_78] : memref<10000x128xf32, #tpu.memory_space<vmem_shared>> -> memref<16x128xf32, #tpu.memory_space<vmem_shared>>
        tpu.enqueue_dma source(%dma_start3A_79 : memref<16x128xf32, #tpu.memory_space<vmem_shared>>) target(%dma_start3A_76 : memref<16x128xf32, #tpu.memory_space<hbm>>) target_semaphore(%run_scoped3A_72 : memref<!tpu.dma_semaphore, #tpu.memory_space<semaphore_mem>>)
        %dma_wait3A = arith.constant 9984 : i32
        %dma_wait3A_80 = arith.constant 0 : i32
        %dma_wait3A_81 = tpu.memref_slice %arg5[%arg0, %dma_wait3A, %dma_wait3A_80] : memref<2x10000x128xf32, #tpu.memory_space<hbm>> -> memref<1x16x128xf32, #tpu.memory_space<hbm>>
        %dma_wait3A_82 = tpu.memref_squeeze %dma_wait3A_81 : memref<1x16x128xf32, #tpu.memory_space<hbm>> -> memref<16x128xf32, #tpu.memory_space<hbm>>
        %dma_wait3A_83 = arith.constant 9984 : i32
        %dma_wait3A_84 = arith.constant 0 : i32
        %dma_wait3A_85 = tpu.memref_slice %arg11[%dma_wait3A_83, %dma_wait3A_84] : memref<10000x128xf32, #tpu.memory_space<vmem_shared>> -> memref<16x128xf32, #tpu.memory_space<vmem_shared>>
        tpu.wait_dma2 semaphore(%run_scoped3A_72 : memref<!tpu.dma_semaphore, #tpu.memory_space<semaphore_mem>>) src(%dma_wait3A_85 : memref<16x128xf32, #tpu.memory_space<vmem_shared>>) dst(%dma_wait3A_82 : memref<16x128xf32, #tpu.memory_space<hbm>>)
        tpu.yield
      }) : () -> ()
    } else {
    }
    return
  }
}

module attributes {stable_mosaic.version = 14 : i64} {
  func.func @mm(%arg0: i32, %arg1: memref<2x5000x128xf32, #tpu.memory_space<vmem>>, %arg2: memref<128x128xf32, #tpu.memory_space<vmem>>, %arg3: memref<128x128xf32, #tpu.memory_space<vmem>>, %arg4: memref<5000x128xf32, #tpu.memory_space<vmem>>, %arg5: memref<5000x128xf32, #tpu.memory_space<vmem>>) attributes {dimension_semantics = [#tpu.dimension_semantics<arbitrary>], iteration_bounds = array<i64: 2>, scalar_prefetch = 0 : i64, scratch_operands = 0 : i64, tpu.core_type = #tpu.core_type<tc>, window_params = [{transform_indices = @transform_0, window_bounds = array<i64: 2, 5000, 128>}, {pipeline_mode = #tpu.pipeline_mode<synchronous>, transform_indices = @transform_1, window_bounds = array<i64: 128, 128>}, {pipeline_mode = #tpu.pipeline_mode<synchronous>, transform_indices = @transform_2, window_bounds = array<i64: 128, 128>}, {transform_indices = @transform_3, window_bounds = array<i64: 5000, 128>}, {transform_indices = @transform_4, window_bounds = array<i64: 5000, 128>}]} {
    %get3A = arith.constant 0 : index
    %get3A_0 = arith.constant 0 : index
    %get3A_1 = arith.constant 0 : index
    %get3A_2 = vector.load %arg1[%get3A, %get3A_0, %get3A_1] : memref<2x5000x128xf32, #tpu.memory_space<vmem>>, vector<1x5000x128xf32>
    %get3A_3 = vector.shape_cast %get3A_2 : vector<1x5000x128xf32> to vector<5000x128xf32>
    %get3A_4 = arith.constant 1 : index
    %get3A_5 = arith.constant 0 : index
    %get3A_6 = arith.constant 0 : index
    %get3A_7 = vector.load %arg1[%get3A_4, %get3A_5, %get3A_6] : memref<2x5000x128xf32, #tpu.memory_space<vmem>>, vector<1x5000x128xf32>
    %get3A_8 = vector.shape_cast %get3A_7 : vector<1x5000x128xf32> to vector<5000x128xf32>
    %add3A = arith.addf %get3A_3, %get3A_8 : vector<5000x128xf32>
    %get3A_9 = arith.constant 0 : index
    %get3A_10 = arith.constant 0 : index
    %get3A_11 = vector.load %arg2[%get3A_9, %get3A_10] : memref<128x128xf32, #tpu.memory_space<vmem>>, vector<128x128xf32>
    %dot_general3A = arith.constant dense<0.000000e+00> : vector<5000x128xf32>
    %dot_general3A_12 = tpu.matmul %add3A, %get3A_11, %dot_general3A {dimension_numbers = #tpu.dot_dimension_numbers<[1], [0], [0], [1], [0, 0, 1, 1], [], []>, transpose_lhs_hint = false} : vector<5000x128xf32>, vector<128x128xf32>, vector<5000x128xf32> -> vector<5000x128xf32>
    %swap3A = arith.constant 0 : index
    %swap3A_13 = arith.constant 0 : index
    %swap3A_14 = vector.load %arg4[%swap3A, %swap3A_13] : memref<5000x128xf32, #tpu.memory_space<vmem>>, vector<5000x128xf32>
    tpu.vector_store %arg4[%swap3A, %swap3A_13], %dot_general3A_12 {strides = array<i32>} : memref<5000x128xf32, #tpu.memory_space<vmem>>, vector<5000x128xf32>,
    %get3A_15 = arith.constant 0 : index
    %get3A_16 = arith.constant 0 : index
    %get3A_17 = vector.load %arg3[%get3A_15, %get3A_16] : memref<128x128xf32, #tpu.memory_space<vmem>>, vector<128x128xf32>
    %dot_general3A_18 = arith.constant dense<0.000000e+00> : vector<5000x128xf32>
    %dot_general3A_19 = tpu.matmul %add3A, %get3A_17, %dot_general3A_18 {dimension_numbers = #tpu.dot_dimension_numbers<[1], [0], [0], [1], [0, 0, 1, 1], [], []>, transpose_lhs_hint = false} : vector<5000x128xf32>, vector<128x128xf32>, vector<5000x128xf32> -> vector<5000x128xf32>
    %swap3A_20 = arith.constant 0 : index
    %swap3A_21 = arith.constant 0 : index
    %swap3A_22 = vector.load %arg5[%swap3A_20, %swap3A_21] : memref<5000x128xf32, #tpu.memory_space<vmem>>, vector<5000x128xf32>
    tpu.vector_store %arg5[%swap3A_20, %swap3A_21], %dot_general3A_19 {strides = array<i32>} : memref<5000x128xf32, #tpu.memory_space<vmem>>, vector<5000x128xf32>,
    return
  }
  func.func @transform_0(%arg0: i32) -> (i32, i32, i32) {
    %c0_i32 = arith.constant 0 : i32
    %c0_i32_0 = arith.constant 0 : i32
    %c0_i32_1 = arith.constant 0 : i32
    return %c0_i32, %arg0, %c0_i32_0 : i32, i32, i32
  }
  func.func @transform_1(%arg0: i32) -> (i32, i32) {
    %c0_i32 = arith.constant 0 : i32
    %c0_i32_0 = arith.constant 0 : i32
    %c0_i32_1 = arith.constant 0 : i32
    return %c0_i32, %c0_i32_0 : i32, i32
  }
  func.func @transform_2(%arg0: i32) -> (i32, i32) {
    %c0_i32 = arith.constant 0 : i32
    %c0_i32_0 = arith.constant 0 : i32
    %c0_i32_1 = arith.constant 0 : i32
    return %c0_i32, %c0_i32_0 : i32, i32
  }
  func.func @transform_3(%arg0: i32) -> (i32, i32) {
    %c0_i32 = arith.constant 0 : i32
    %c0_i32_0 = arith.constant 0 : i32
    return %arg0, %c0_i32 : i32, i32
  }
  func.func @transform_4(%arg0: i32) -> (i32, i32) {
    %c0_i32 = arith.constant 0 : i32
    %c0_i32_0 = arith.constant 0 : i32
    return %arg0, %c0_i32 : i32, i32
  }
}

</mosaic_0001>

<sc_bundles>
// kernel: kernel.4.cloned.1.call-start
scs
__scs_entry_jumppad:
0x0: {  	(pc) =	sbr.rel $0x88, $3  }
0x1: {  	(tag) =	ssettag $0x0;
	lr =	simm.s32 $0x1  }
0x2: {  	[smem:$0x3F9D] =	sst lr;
	_ =	strace $0xD0000000  }
0x3: {  	_ = 	snop  }
0x4: {  	_ = 	snop  }
0x5: {  	_ = 	snop  }
0x6: {  	_ = 	snop  }
0x7: {  	_ = 	snop  }
__scs_overlays_trampoline_lowered:
0x8: {  	[smem:$0x3FAC] =	sst s0  }
0x9: {  	[smem:$0x3FAD] =	sst s1  }
0xa: {  	[smem:$0x3FAE] =	sst s2  }
0xb: {  	[smem:$0x3FAF] =	sst s3  }
0xc: {  	[smem:$0x3FB0] =	sst s4  }
0xd: {  	[smem:$0x3FB1] =	sst s5  }
0xe: {  	[smem:$0x3FB2] =	sst s6  }
0xf: {  	[smem:$0x3FB3] =	sst s7  }
0x10: {  	[smem:$0x3FB4] =	sst s8  }
0x11: {  	[smem:$0x3FB5] =	sst s9;
	s0 =	simm.s32 @!p0 $0x0  }
0x12: {  	s1 =	sld [smem:$0x3F9B];
	s0 =	simm.s32 @p0 $0x1  }
0x13: {  	[smem:$0x3FB6] =	sst s0;
	s0 =	simm.s32 @!p1 $0x0  }
0x14: {  	s2 =	sld [smem:$0x3F9A];
	s0 =	simm.s32 @p1 $0x1  }
0x15: {  	[smem:$0x3FB7] =	sst s0;
	s0 =	simm.s32 @!p2 $0x0  }
0x16: {  	s3 =	sld [smem:$0x3FDB];
	s0 =	simm.s32 @p2 $0x1  }
0x17: {  	s4 =	simm.s32 $0x1BF5;
	[smem:$0x3FB9] =	sst s0  }
0x18: {  	s0 =	sld [smem:$0x3F9C];
	_ =	swait.ge [sflag:s4], $0x0  }
0x19: {  	s7 =	sld [smem:$0x3F9D]  }
0x1a: {  	s8 =	sadd.s32 $0xFFFFE003, lr  }
0x1b: {  	s9 =	sadd.s32 $0xFFFFFEF7, lr;
	s5 =	simm.s32 $0xFFFFFFFF;
	p2 =	slt.u32 s8, $0xFFFFF086  }
0x1c: {  	p1 =	slt.u32 s9, $0xF7A;
	s5 =	simm.s32 @!p2 $0x0  }
0x1d: {  	s5 =	simm.s32 @p1 $0x1;
	p0 =	seq.s32 s7, s2  }
0x1e: {  	s7 =	smul.u32 @!p0 $0xF7A, s2;
	p2 =	seq.s32 @!p0 s5, $0x0  }
0x1f: {  	s9 =	smul.u32 $0xF7A, s1;
	s8 =	simm.s32 @!p0 $0x1BF5;
	p2 =	por !p2, p0  }
0x20: {  	[sflag:s8] =	ssyncset.s32 @!p0 $0xFFFFF086;
	s6 =	sadd.s32 @!p0 s3, s7;
	s7 =	simm.s32 @!p0 $0x108  }
0x21: {  	s3 =	sadd.s32 s3, s9;
	s6 =	sadd.s32 @!p0 $0x88, s6;
	s7 =	simm.s32 @p2 $0x1082  }
0x22: {  	[simem:s7], [sflag:s8] =	dma.local @!p0 [hbm:s6], $0xF7A  }
0x23: {  	s9 =	sor.u32 $0xD0000000, s2;
	s6 =	simm.s32 $0x108;
	_ =	swait.ge @!p0 [sflag:s8], $0x0  }
0x24: {  	s3 =	sadd.s32 $0x88, s3;
	s6 =	simm.s32 @!p1 $0x1082;
	[sflag:s4] =	ssyncset.s32 $0xFFFFF086  }
0x25: {  	[simem:s6], [sflag:s4] =	dma.local [hbm:s3], $0xF7A  }
0x26: {  	[smem:$0x3F9D] =	sst s1;
	(tag) =	ssettag s2;
	_ =	strace s9  }
0x27: {  	s1 =	sld [smem:$0x3FAD]  }
0x28: {  	s2 =	sld [smem:$0x3FAE]  }
0x29: {  	s4 =	sld [smem:$0x3FB0]  }
0x2a: {  	p0 =	seq.s32 s5, $0x0;
	s5 =	sld [smem:$0x3FB1]  }
0x2b: {  	s6 =	sld [smem:$0x3FB2]  }
0x2c: {  	s7 =	sld [smem:$0x3FB3]  }
0x2d: {  	s3 =	simm.s32 $0x108;
	s8 =	sld [smem:$0x3FB4]  }
0x2e: {  	s3 =	simm.s32 @!p0 $0x1082;
	s9 =	sld [smem:$0x3FB5]  }
0x2f: {  	lr =	sadd.s32 s0, s3;
	s0 =	sld [smem:$0x3FAC]  }
0x30: {  	s3 =	sld [smem:$0x3FAF]  }
0x31: {  	[smem:$0x3FB8] =	sst s10  }
0x32: {  	s10 =	sld [smem:$0x3FB6];
	_ =	sdelay $0x3  }
0x33: {  	p0 =	seq.s32 s10, $0x1;
	s10 =	sld [smem:$0x3FB8];
	_ =	sdelay $0x3  }
0x34: {  	[smem:$0x3FB8] =	sst s10  }
0x35: {  	s10 =	sld [smem:$0x3FB7];
	_ =	sdelay $0x3  }
0x36: {  	p1 =	seq.s32 s10, $0x1;
	s10 =	sld [smem:$0x3FB8];
	_ =	sdelay $0x3  }
0x37: {  	[smem:$0x3FB8] =	sst s10  }
0x38: {  	s10 =	sld [smem:$0x3FB9]  }
0x39: {  	_ = 	snop;
	(pc) =	sbr.ind lr, $3  }
0x3a: {  	_ = 	snop  }
0x3b: {  	_ = 	snop  }
0x3c: {  	p2 =	seq.s32 s10, $0x1;
	s10 =	sld [smem:$0x3FB8]  }
0x3d: {  	_ =	shalt  }
0x3e: {  	_ =	shalt  }
0x3f: {  	_ =	shalt  }
0x40: {  	_ =	shalt  }
0x41: {  	_ =	shalt  }
0x42: {  	_ =	shalt  }
0x43: {  	_ =	shalt  }
0x44: {  	_ =	shalt  }
0x45: {  	_ =	shalt  }
0x46: {  	_ =	shalt  }
0x47: {  	_ =	shalt  }
0x48: {  	_ =	shalt  }
0x49: {  	_ =	shalt  }
0x4a: {  	_ =	shalt  }
0x4b: {  	_ =	shalt  }
0x4c: {  	_ =	shalt  }
0x4d: {  	_ =	shalt  }
0x4e: {  	_ =	shalt  }
0x4f: {  	_ =	shalt  }
0x50: {  	_ =	shalt  }
0x51: {  	_ =	shalt  }
0x52: {  	_ =	shalt  }
0x53: {  	_ =	shalt  }
0x54: {  	_ =	shalt  }
0x55: {  	_ =	shalt  }
0x56: {  	_ =	shalt  }
0x57: {  	_ =	shalt  }
0x58: {  	_ =	shalt  }
0x59: {  	_ =	shalt  }
0x5a: {  	_ =	shalt  }
0x5b: {  	_ =	shalt  }
0x5c: {  	_ =	shalt  }
0x5d: {  	_ =	shalt  }
0x5e: {  	_ =	shalt  }
0x5f: {  	_ =	shalt  }
0x60: {  	_ =	shalt  }
0x61: {  	_ =	shalt  }
0x62: {  	_ =	shalt  }
0x63: {  	_ =	shalt  }
0x64: {  	_ =	shalt  }
0x65: {  	_ =	shalt  }
0x66: {  	_ =	shalt  }
0x67: {  	_ =	shalt  }
0x68: {  	_ =	shalt  }
0x69: {  	_ =	shalt  }
0x6a: {  	_ =	shalt  }
0x6b: {  	_ =	shalt  }
0x6c: {  	_ =	shalt  }
0x6d: {  	_ =	shalt  }
0x6e: {  	_ =	shalt  }
0x6f: {  	_ =	shalt  }
0x70: {  	_ =	shalt  }
0x71: {  	_ =	shalt  }
0x72: {  	_ =	shalt  }
0x73: {  	_ =	shalt  }
0x74: {  	_ =	shalt  }
0x75: {  	_ =	shalt  }
0x76: {  	_ =	shalt  }
0x77: {  	_ =	shalt  }
0x78: {  	_ =	shalt  }
0x79: {  	_ =	shalt  }
0x7a: {  	_ =	shalt  }
0x7b: {  	_ =	shalt  }
0x7c: {  	_ =	shalt  }
0x7d: {  	_ =	shalt  }
0x7e: {  	_ =	shalt  }
0x7f: {  	_ =	shalt  }
0x80: {  	_ =	shalt  }
0x81: {  	_ =	shalt  }
0x82: {  	_ =	shalt  }
0x83: {  	_ =	shalt  }
0x84: {  	_ =	shalt  }
0x85: {  	_ =	shalt  }
0x86: {  	_ =	shalt  }
0x87: {  	_ =	shalt  }
.Lfunc_end0:
.L_simem_size_0:
called_computation_lowered:
.L_overlay_start_0:
0x88: {  	s2 =	sld [smem:$0x3FD9]  }
0x89: {  	s3 =	sld [smem:$0x3FFE];
	_ =	sdelay $0x1  }
0x8a: {  	s1 =	srdreg.scid  }
0x8b: {  	s0 =	sand.u32 $0x1, s1  }
0x8c: {  	s14 =	sshll.u32 s0, $0xA;
	s2 =	sadd.s32 s3, s2  }
0x8d: {  	s2 =	sadd.s32 s2, s14  }
0x8e: {  	[smem:$0x3FC4] =	sst s2  }
0x8f: {  	_ = 	snop  }
0x90: {  	s2 =	sld [smem:$0x3FD0];
	_ =	sdelay $0x2  }
0x91: {  	s4 =	simm.s32 $0xA;
	s5 =	simm.s32 $0x10;
	s15 =	sld [smem:$0x3FC9]  }
0x92: {  	[smem:s5], [sflag:s4] =	dma.local [hbm:s2], $0x1  }
0x93: {  	_ =	swait.eq [sflag:s4], $0x1  }
0x94: {  	[sflag:s4] =	ssyncset.done $0x0  }
0x95: {  	s16 =	sld [smem:$0x10];
	[sflag:s4] =	ssyncadd.s32 $0xFFFFFFFF  }
0x96: {  	s17 =	sld [smem:$0x11];
	(tm) =	ssettm $0x1  }
0x97: {  	s18 =	sld [smem:$0x3FFB];
	_ =	sdelay $0x3  }
0x98: {  	_ =	strace s18  }
0x99: {  	s5 =	sld [smem:$0x3FFC];
	_ =	sdelay $0x3  }
0x9a: {  	_ =	strace s5  }
0x9b: {  	s5 =	sld [smem:$0x3FFD];
	_ =	sdelay $0x3  }
0x9c: {  	_ =	strace s5  }
0x9d: {  	_ =	strace $0x8FFFFFFF  }
0x9e: {  	s19 =	sld [smem:$0x3FDB];
	_ =	sdelay $0x1  }
0x9f: {  	s6 =	simm.s32 $_scs_section_size  }
0xa0: {  	s7 =	simm.s32 $_size__tile_overlayer_lowered;
	s8 =	simm.s32 $_tile_overlayer_lowered  }
0xa1: {  	s22 =	simm.s32 $0x1BFF;
	s21 =	sshll.u32 s8, $0x1;
	s5 =	sadd.s32 s6, s19  }
0xa2: {  	s9 =	simm.s32 $0x0;
	s20 =	sshll.u32 s7, $0x1;
	s7 =	sadd.s32 s21, s5  }
0xa3: {  	[timem:s9], [sflag:s22] =	dma.local [hbm:s7], s20  }
0xa4: {  	_ =	swait.ge [sflag:s22], s20  }
0xa5: {  	s6 =	ssub.s32 $0x0, s20;
	[sflag:s22] =	ssyncset.done $0x0  }
0xa6: {  	[sflag:s22] =	ssyncadd.s32 s6;
	_ =	sdelay $0x1  }
0xa7: {  	s23 =	simm.s32 $0x1B8B  }
0xa8: {  	_ =	swait.ge [sflag:s23], $0x1  }
0xa9: {  	[sflag:s23] =	ssyncset.done $0x0  }
0xaa: {  	s25 =	simm.s32 $0x1B8E;
	s24 =	sld [smem:$0x3FFE];
	[sflag:s23] =	ssyncadd.s32 $0xFFFFFFFF  }
0xab: {  	s26 =	simm.s32 $execute0_lowered;
	[smem:$0x3FD2] =	sst s25  }
0xac: {  	s7 =	sshll.u32 s26, $0x1;
	_ =	strace $0x80000046;
	[dreg:$0x1] =	wrdreg $0xFFFFFFFF  }
0xad: {  	s28 =	simm.s32 $_size_execute0_lowered;
	s5 =	sadd.s32 s5, s7;
	[dreg:$0x0] =	wrdreg $0x0  }
0xae: {  	s7 =	sshll.u32 s28, $0x1;
	[dreg:$0x2] =	wrdreg s5  }
0xaf: {  	[dreg:$0x3] =	wrdreg s7  }
0xb0: {  	[dreg:$0x4] =	wrdreg $0xC0  }
0xb1: {  	_ =	task [dreg:s9], $0x5FFFF  }
0xb2: {  	[dreg:$0x1] =	wrdreg $0xFFFFFFFF  }
0xb3: {  	[dreg:$0x0] =	wrdreg $0x60  }
0xb4: {  	[dreg:$0x2] =	wrdreg s15  }
0xb5: {  	[dreg:$0x3] =	wrdreg s17  }
0xb6: {  	[dreg:$0x4] =	wrdreg s16  }
0xb7: {  	[dreg:$0x5] =	wrdreg s24  }
0xb8: {  	[dreg:$0x6] =	wrdreg $0x98000  }
0xb9: {  	[dreg:$0x7] =	wrdreg $0x9  }
0xba: {  	_ =	task.clear_ibuf [dreg:s9], $0x8FFFF;
	_ =	strace $0x90000046  }
0xbb: {  	s29 =	simm.s32 $0x9;
	_ =	strace $0x80000048  }
0xbc: {  	_ =	swait.ge [sflag:s29], $0x1  }
0xbd: {  	[sflag:s29] =	ssyncadd.s32 $0xFFFFFFFF  }
0xbe: {  	_ =	strace $0x90000048  }
0xbf: {  	_ =	sfence  }
0xc0: {  	s30 =	sld [smem:$0x0];
	_ =	sdelay $0x2  }
0xc1: {  	s31 =	sshll.u32 s1, $0xD;
	s1 =	sshrl.u32 s1, $0x2  }
0xc2: {  	s3 =	sand.u32 $0x4000, s31;
	s1 =	sadd.s32 s1, s30  }
0xc3: {  	s0 =	sor.u32 s3, s0;
	s1 =	sshll.u32 s1, $0x11  }
0xc4: {  	s0 =	sor.u32 s1, s0  }
0xc5: {  	s0 =	sadd.s32 $0x8F2B, s0  }
0xc6: {  	[sflag:s0] =	ssyncadd.remote.s32 $0x1  }
0xc7: {  	_ =	sfence.sel $0xFFFF  }
0xc8: {  	[dreg:$0x0] =	wrdreg $0xFFFFFFFF;
	(pc) =	sbr.abs _section_cstart, $3  }
0xc9: {  	[dreg:$0x1] =	wrdreg $0xFFFFFFFF  }
0xca: {  	_ =	task.clear_ibuf [dreg:s9], $0x2FFFF;
	_ =	strace $0x9FFFFFFF  }
0xcb: {  	(tm) =	ssettm $0x7FFFFFFF  }
tec
execute0_lowered:
.L_overlay_start_1:
0x0: {  	(tag) =	ssettag $0x1  }
0x1: {  	s0 =	rddreg [dreg:$0x0]  }
0x2: {  	s1 =	rddreg [dreg:$0x1]  }
0x3: {  	s3 =	srdreg.scid;
	s2 =	rddreg [dreg:$0x2]  }
0x4: {  	s4 =	rddreg [dreg:$0x3];
	s12 =	stileid.u32  }
0x5: {  	s5 =	rddreg [dreg:$0x4];
	s28 =	simm.s32 $0x4800;
	s29 =	simm.s32 $0x7000  }
0x6: {  	s30 =	simm.s32 $0x1;
	s31 =	simm.s32 $0x2;
	s8 =	smul.u32 $0x4E000, s12  }
0x7: {  	s3 =	sand.u32 $0x1, s3;
	s4 =	sadd.s32 $0x200, s4;
	s25 =	smul.u32 $0x13800, s12  }
0x8: {  	s18 =	sadd.s32 $0x138000, s5;
	p0 =	sne.s32 s12, $0x0;
	s6 =	sshll.u32 s3, $0x4  }
0x9: {  	s9 =	ssub.s32 $0x2, s3;
	s3 =	smul.u32 $0x138800, s3;
	s7 =	sor.u32 s12, s6  }
0xa: {  	s6 =	simm.s32 $0x0;
	s10 =	sshrl.u32 s9, $0x1;
	s8 =	sshrl.u32 s8, $0x2  }
0xb: {  	s7 =	smul.u32 $0x5000, s7;
	[smem:$0x7FF] =	sst s6;
	s10 =	ssub.s32 s9, s10  }
0xc: {  	s9 =	sadd.s32 s8, s5;
	s8 =	sadd.s32 s25, s3;
	s3 =	sshrl.u32 s3, $0x3  }
0xd: {  	s25 =	simm.s32 $0x2000;
	_ =	strace $0x80000047;
	s22 =	sadd.s32 $0x2800, s9  }
0xe: {  	s23 =	sadd.s32 $0x5000, s9;
	s24 =	sadd.s32 $0x7800, s9;
	s26 =	sadd.s32 $0xA000, s9  }
0xf: {  	s15 =	sadd.s32 $0xC800, s9;
	s16 =	sadd.s32 $0xF000, s9;
	[dreg:$0x8] =	wrdreg s22  }
0x10: {  	s17 =	sadd.s32 $0x11800, s9;
	s8 =	sshrl.u32 s8, $0x3;
	[dreg:$0x9] =	wrdreg s23  }
0x11: {  	s3 =	sadd.s32 s4, s3;
	s11 =	sshrl.u32 s7, $0x3;
	[dreg:$0xa] =	wrdreg s24  }
0x12: {  	[dreg:$0xb] =	wrdreg s26;
	s19 =	sadd.s32 s4, s8;
	s22 =	simm.s32 $0x3  }
0x13: {  	s24 =	simm.s32 $0x50;
	s4 =	simm.s32 $0xC00;
	s20 =	sadd.s32 s1, s11  }
0x14: {  	s23 =	simm.s32 $0x1B80;
	s21 =	sadd.s32 s2, s11;
	[dreg:$0x6] =	wrdreg s20  }
0x15: {  	s26 =	simm.s32 $0x1C00;
	s8 =	simm.s32 $0x0;
	[dreg:$0x7] =	wrdreg s21  }
0x16: {  	v0 =	vimm.f32 $0.0e+00;
	s20 =	sadd.s32 $0x27000, s3;
	s21 =	smax.u32 s10, $0x1;
	s3 =	simm.s32 $0x1B00  }
.LBB2_1:
0x17: {  	s10 =	rddreg [dreg:$0x6]  }
0x18: {  	[tilespmem:s6], [sflag:$0x3] =	stream.linear.gather [hbm4b:s10+s6], $0xC80, $0x38;
	[tilespmem:$0x1D080] =	vst v63  }
0x19: {  	_ =	swait.ge [sflag:s22], $0xC80  }
0x1a: {  	[sflag:s22] =	ssyncset.done $0x0  }
0x1b: {  	s11 =	simm.s32 $0x1000;
	s13 =	rddreg [dreg:$0x7];
	[sflag:s22] =	ssyncadd.s32 $0xFFFFF380  }
0x1c: {  	[tilespmem:s11], [sflag:$0x3] =	stream.linear.gather [hbm4b:s13+s6], $0xC80, $0x38;
	[tilespmem:$0x1D080] =	vst v63  }
0x1d: {  	_ =	swait.ge [sflag:s22], $0xC80  }
0x1e: {  	[sflag:s22] =	ssyncset.done $0x0  }
0x1f: {  	[sflag:s22] =	ssyncadd.s32 $0xFFFFF380  }
0x20: {  	[tilespmem:s25], [sflag:$0x1] =	stream.indirect.gather [hbm4b:s0+s24], $0x80, s6, s24, $0xb8;
	[tilespmem:$0x1D080] =	vst v63  }
0x21: {  	s14 =	simm.s32 $0x80;
	s10 =	simm.s32 $0x0;
	s11 =	simm.s32 $0x200  }
0x22: {  	[tilespmem:s28], [sflag:$0x2] =	stream.indirect.gather [hbm4b:s0+s24], $0x80, s14, s24, $0xb8;
	[tilespmem:$0x1D080] =	vst v63  }
.LBB2_2:
0x23: {  	p1 =	sne.s32 s11, $0x9E00;
	[tilespmem:s10+$0x7070] =	vst v0  }
0x24: {  	[tilespmem:s10+$0x7000] =	vst v0  }
0x25: {  	[tilespmem:s10+$0x7010] =	vst v0  }
.Ltmp0:
0x26: {  	[tilespmem:s10+$0x7020] =	vst v0;
	(pc) =	sbr.rel @p1 .LBB2_2-.Ltmp0, $4  }
0x27: {  	[tilespmem:s10+$0x7030] =	vst v0  }
0x28: {  	[tilespmem:s10+$0x7040] =	vst v0  }
0x29: {  	[tilespmem:s10+$0x7050] =	vst v0  }
0x2a: {  	[tilespmem:s10+$0x7060] =	vst v0;
	s10 =	sshra.s32 s11, $0x2;
	s11 =	sadd.s32 $0x200, s11  }
0x2b: {  	[tilespmem:s10+$0x7070] =	vst v0  }
0x2c: {  	[tilespmem:s10+$0x7000] =	vst v0  }
0x2d: {  	[tilespmem:s10+$0x7010] =	vst v0  }
0x2e: {  	[tilespmem:s10+$0x7020] =	vst v0  }
0x2f: {  	[tilespmem:s10+$0x7030] =	vst v0  }
0x30: {  	[tilespmem:s10+$0x7040] =	vst v0  }
0x31: {  	[tilespmem:s10+$0x7050] =	vst v0  }
0x32: {  	[tilespmem:s10+$0x7060] =	vst v0  }
0x33: {  	[spmem:s9] =	stream.linear.scatter [tilespmem:s29], [sflag:$0x3], $0x2800, $0x38;
	[tilespmem:$0x1D080] =	vst v63  }
0x34: {  	_ =	swait.ge [sflag:s22], $0x2800  }
0x35: {  	[sflag:s22] =	ssyncset.done $0x0  }
0x36: {  	s11 =	rddreg [dreg:$0x8];
	[sflag:s22] =	ssyncadd.s32 $0xFFFFD800  }
0x37: {  	[spmem:s11] =	stream.linear.scatter [tilespmem:s29], [sflag:$0x3], $0x2800, $0x38;
	[tilespmem:$0x1D080] =	vst v63  }
0x38: {  	_ =	swait.ge [sflag:s22], $0x2800  }
0x39: {  	[sflag:s22] =	ssyncset.done $0x0  }
0x3a: {  	s12 =	rddreg [dreg:$0x9];
	[sflag:s22] =	ssyncadd.s32 $0xFFFFD800  }
0x3b: {  	[spmem:s12] =	stream.linear.scatter [tilespmem:s29], [sflag:$0x3], $0x2800, $0x38;
	[tilespmem:$0x1D080] =	vst v63  }
0x3c: {  	_ =	swait.ge [sflag:s22], $0x2800  }
0x3d: {  	[sflag:s22] =	ssyncset.done $0x0  }
0x3e: {  	s13 =	rddreg [dreg:$0xa];
	[sflag:s22] =	ssyncadd.s32 $0xFFFFD800  }
0x3f: {  	[spmem:s13] =	stream.linear.scatter [tilespmem:s29], [sflag:$0x3], $0x2800, $0x38;
	[tilespmem:$0x1D080] =	vst v63  }
0x40: {  	_ =	swait.ge [sflag:s22], $0x2800  }
0x41: {  	[sflag:s22] =	ssyncset.done $0x0  }
0x42: {  	s14 =	rddreg [dreg:$0xb];
	[sflag:s22] =	ssyncadd.s32 $0xFFFFD800  }
0x43: {  	[spmem:s14] =	stream.linear.scatter [tilespmem:s29], [sflag:$0x3], $0x2800, $0x38;
	[tilespmem:$0x1D080] =	vst v63  }
0x44: {  	_ =	swait.ge [sflag:s22], $0x2800  }
0x45: {  	[sflag:s22] =	ssyncset.done $0x0  }
0x46: {  	[sflag:s22] =	ssyncadd.s32 $0xFFFFD800  }
0x47: {  	[spmem:s15] =	stream.linear.scatter [tilespmem:s29], [sflag:$0x3], $0x2800, $0x38;
	[tilespmem:$0x1D080] =	vst v63  }
0x48: {  	_ =	swait.ge [sflag:s22], $0x2800  }
0x49: {  	[sflag:s22] =	ssyncset.done $0x0  }
0x4a: {  	[sflag:s22] =	ssyncadd.s32 $0xFFFFD800  }
0x4b: {  	[spmem:s16] =	stream.linear.scatter [tilespmem:s29], [sflag:$0x3], $0x2800, $0x38;
	[tilespmem:$0x1D080] =	vst v63  }
0x4c: {  	_ =	swait.ge [sflag:s22], $0x2800  }
0x4d: {  	[sflag:s22] =	ssyncset.done $0x0  }
0x4e: {  	[sflag:s22] =	ssyncadd.s32 $0xFFFFD800  }
0x4f: {  	[spmem:s17] =	stream.linear.scatter [tilespmem:s29], [sflag:$0x3], $0x2000, $0x38;
	[tilespmem:$0x1D080] =	vst v63  }
0x50: {  	_ =	swait.ge [sflag:s22], $0x2000  }
0x51: {  	[sflag:s22] =	ssyncset.done $0x0  }
0x52: {  	s10 =	simm.s32 @!p0 $0x7000;
	[sflag:s22] =	ssyncadd.s32 $0xFFFFE000  }
0x53: {  	[spmem:s18] =	stream.linear.scatter @!p0 [tilespmem:s10], [sflag:$0x3], $0x800, $0x38;
	[tilespmem:$0x1D080] =	vst v63  }
0x54: {  	s10 =	simm.s32 @!p0 $0x3  }
0x55: {  	_ =	swait.ge @!p0 [sflag:s10], $0x800  }
0x56: {  	[sflag:s10] =	ssyncset.done @!p0 $0x0  }
0x57: {  	[sflag:s10] =	ssyncadd.s32 @!p0 $0xFFFFF800  }
0x58: {  	s10 =	simm.s32 $0x0;
	[bflag:$0x0] =	sbarrier.arrive $0xFFFF  }
.LBB2_4:
0x59: {  	p1 =	seq.s32 s10, $0x0  }
0x5a: {  	s11 =	sshll.u32 @!p1 s10, $0xC  }
0x5b: {  	s11 =	sadd.s32 @!p1 s7, s11  }
0x5c: {  	s11 =	sshrl.u32 @!p1 s11, $0x3  }
0x5d: {  	s13 =	simm.s32 @!p1 $0x0;
	s12 =	sadd.s32 @!p1 s1, s11  }
0x5e: {  	[tilespmem:s13], [sflag:$0x3] =	stream.linear.gather @!p1 [hbm4b:s12+s13], $0xC80, $0x38;
	[tilespmem:$0x1D080] =	vst v63  }
0x5f: {  	s12 =	simm.s32 @!p1 $0x3  }
0x60: {  	_ =	swait.ge @!p1 [sflag:s12], $0xC80  }
0x61: {  	[sflag:s12] =	ssyncset.done @!p1 $0x0  }
0x62: {  	s14 =	simm.s32 @!p1 $0x1000;
	s11 =	sadd.s32 @!p1 s2, s11;
	[sflag:s12] =	ssyncadd.s32 @!p1 $0xFFFFF380  }
0x63: {  	[tilespmem:s14], [sflag:$0x3] =	stream.linear.gather @!p1 [hbm4b:s11+s13], $0xC80, $0x38;
	[tilespmem:$0x1D080] =	vst v63  }
0x64: {  	_ =	swait.ge @!p1 [sflag:s12], $0xC80  }
0x65: {  	[sflag:s12] =	ssyncset.done @!p1 $0x0  }
0x66: {  	s11 =	simm.s32 @!p1 $0x50;
	[sflag:s12] =	ssyncadd.s32 @!p1 $0xFFFFF380;
	s12 =	simm.s32 @!p1 $0x2000  }
0x67: {  	[tilespmem:s12], [sflag:$0x1] =	stream.indirect.gather @!p1 [hbm4b:s0+s11], $0x80, s13, s11, $0xb8;
	[tilespmem:$0x1D080] =	vst v63  }
0x68: {  	s12 =	simm.s32 @!p1 $0x80;
	s13 =	simm.s32 @!p1 $0x4800  }
0x69: {  	[tilespmem:s13], [sflag:$0x2] =	stream.indirect.gather @!p1 [hbm4b:s0+s11], $0x80, s12, s11, $0xb8;
	[tilespmem:$0x1D080] =	vst v63  }
0x6a: {  	_ =	swait.ge [sflag:s30], $0x2800  }
0x6b: {  	[sflag:s30] =	ssyncset.done $0x0  }
0x6c: {  	s12 =	simm.s32 $0x1000;
	[sflag:s30] =	ssyncadd.s32 $0xFFFFD800  }
0x6d: {  	[spmem:s5] =	stream.indirect.scatter.add.f32 [tilespmem:s25], [sflag:$0x3], $0x80, s12, s24, $0xb8;
	[tilespmem:$0x1D080] =	vst v63  }
0x6e: {  	_ =	swait.ge [sflag:s22], $0x2800  }
0x6f: {  	[sflag:s22] =	ssyncset.done $0x0  }
0x70: {  	s13 =	simm.s32 $0x100;
	[sflag:s22] =	ssyncadd.s32 $0xFFFFD800  }
0x71: {  	[tilespmem:s25], [sflag:$0x1] =	stream.indirect.gather [hbm4b:s0+s24], $0x80, s13, s24, $0xb8;
	[tilespmem:$0x1D080] =	vst v63  }
0x72: {  	_ =	swait.ge [sflag:s31], $0x2800  }
0x73: {  	[sflag:s31] =	ssyncset.done $0x0  }
0x74: {  	s14 =	simm.s32 $0x1080;
	[sflag:s31] =	ssyncadd.s32 $0xFFFFD800  }
0x75: {  	[spmem:s5] =	stream.indirect.scatter.add.f32 [tilespmem:s28], [sflag:$0x3], $0x80, s14, s24, $0xb8;
	[tilespmem:$0x1D080] =	vst v63  }
0x76: {  	_ =	swait.ge [sflag:s22], $0x2800  }
0x77: {  	[sflag:s22] =	ssyncset.done $0x0  }
0x78: {  	s11 =	simm.s32 $0x400;
	s12 =	simm.s32 $0x180;
	[sflag:s22] =	ssyncadd.s32 $0xFFFFD800  }
.LBB2_5:
0x79: {  	[tilespmem:s28], [sflag:$0x2] =	stream.indirect.gather [hbm4b:s0+s24], $0x80, s12, s24, $0xb8;
	[tilespmem:$0x1D080] =	vst v63  }
0x7a: {  	s12 =	smov.u32 s11  }
0x7b: {  	p1 =	sne.s32 s11, $0x2800;
	s11 =	sadd.s32 $0x400, s11;
	_ =	swait.ge [sflag:s30], $0x2800  }
0x7c: {  	s12 =	sshra.s32 s12, $0x2;
	[sflag:s30] =	ssyncset.done $0x0  }
0x7d: {  	s13 =	sadd.s32 $0x1000, s12;
	[sflag:s30] =	ssyncadd.s32 $0xFFFFD800  }
0x7e: {  	[spmem:s5] =	stream.indirect.scatter.add.f32 [tilespmem:s25], [sflag:$0x3], $0x80, s13, s24, $0xb8;
	[tilespmem:$0x1D080] =	vst v63  }
0x7f: {  	_ =	swait.ge [sflag:s22], $0x2800  }
0x80: {  	[sflag:s22] =	ssyncset.done $0x0  }
0x81: {  	s13 =	sadd.s32 $0x100, s12;
	[sflag:s22] =	ssyncadd.s32 $0xFFFFD800  }
0x82: {  	[tilespmem:s25], [sflag:$0x1] =	stream.indirect.gather [hbm4b:s0+s24], $0x80, s13, s24, $0xb8;
	[tilespmem:$0x1D080] =	vst v63  }
0x83: {  	_ =	swait.ge [sflag:s31], $0x2800  }
0x84: {  	[sflag:s31] =	ssyncset.done $0x0  }
.Ltmp1:
0x85: {  	s13 =	sadd.s32 $0x1080, s12;
	[sflag:s31] =	ssyncadd.s32 $0xFFFFD800;
	(pc) =	sbr.rel @p1 .LBB2_5-.Ltmp1, $4  }
0x86: {  	[spmem:s5] =	stream.indirect.scatter.add.f32 [tilespmem:s28], [sflag:$0x3], $0x80, s13, s24, $0xb8;
	[tilespmem:$0x1D080] =	vst v63  }
0x87: {  	_ =	swait.ge [sflag:s22], $0x2800  }
0x88: {  	[sflag:s22] =	ssyncset.done $0x0  }
0x89: {  	s12 =	sadd.s32 $0x180, s12;
	[sflag:s22] =	ssyncadd.s32 $0xFFFFD800  }
0x8a: {  	[tilespmem:s28], [sflag:$0x2] =	stream.indirect.gather [hbm4b:s0+s24], $0x80, s12, s24, $0xb8;
	[tilespmem:$0x1D080] =	vst v63  }
0x8b: {  	_ =	swait.ge [sflag:s30], $0x2800  }
0x8c: {  	[sflag:s30] =	ssyncset.done $0x0  }
0x8d: {  	[sflag:s30] =	ssyncadd.s32 $0xFFFFD800  }
0x8e: {  	[spmem:s5] =	stream.indirect.scatter.add.f32 [tilespmem:s25], [sflag:$0x3], $0x80, s3, s24, $0xb8;
	[tilespmem:$0x1D080] =	vst v63  }
0x8f: {  	_ =	swait.ge [sflag:s22], $0x2800  }
0x90: {  	[sflag:s22] =	ssyncset.done $0x0  }
0x91: {  	[sflag:s22] =	ssyncadd.s32 $0xFFFFD800  }
0x92: {  	[tilespmem:s25], [sflag:$0x1] =	stream.indirect.gather [hbm4b:s0+s24], $0x80, s4, s24, $0xb8;
	[tilespmem:$0x1D080] =	vst v63  }
0x93: {  	_ =	swait.ge [sflag:s31], $0x2800  }
0x94: {  	[sflag:s31] =	ssyncset.done $0x0  }
0x95: {  	[sflag:s31] =	ssyncadd.s32 $0xFFFFD800  }
0x96: {  	[spmem:s5] =	stream.indirect.scatter.add.f32 [tilespmem:s28], [sflag:$0x3], $0x80, s23, s24, $0xb8;
	[tilespmem:$0x1D080] =	vst v63  }
0x97: {  	_ =	swait.ge [sflag:s22], $0x2800  }
0x98: {  	[sflag:s22] =	ssyncset.done $0x0  }
0x99: {  	[sflag:s22] =	ssyncadd.s32 $0xFFFFD800  }
0x9a: {  	s10 =	sadd.s32 $0x1, s10;
	_ =	swait.ge [sflag:s30], $0x2800  }
0x9b: {  	p1 =	sne.s32 s10, $0x5;
	[sflag:s30] =	ssyncset.done $0x0  }
.Ltmp2:
0x9c: {  	[sflag:s30] =	ssyncadd.s32 $0xFFFFD800;
	(pc) =	sbr.rel @p1 .LBB2_4-.Ltmp2, $4  }
0x9d: {  	[spmem:s5] =	stream.indirect.scatter.add.f32 [tilespmem:s25], [sflag:$0x3], $0x80, s26, s24, $0xb8;
	[tilespmem:$0x1D080] =	vst v63  }
0x9e: {  	_ =	swait.ge [sflag:s22], $0x2800  }
0x9f: {  	[sflag:s22] =	ssyncset.done $0x0  }
0xa0: {  	[sflag:s22] =	ssyncadd.s32 $0xFFFFD800  }
0xa1: {  	s10 =	stileid.u32  }
0xa2: {  	s10 =	sshll.u32 s10, $0x6  }
0xa3: {  	[bflag:$0x0] =	sbarrier.arrive $0xFFFF;
	s11 =	sshrl.u32 s9, $0x3;
	s10 =	sor.u32 $0x1C03, s10  }
0xa4: {  	[hbm:s19], [sflag:s10] =	dma.local [spmem:s11], $0x2700  }
0xa5: {  	_ =	swait.ge [sflag:s22], $0x2700  }
0xa6: {  	s8 =	sadd.s32 $0x1, s8;
	[sflag:s22] =	ssyncset.done $0x0  }
0xa7: {  	p1 =	sne.s32 s8, s21;
	s11 =	sshrl.u32 @!p0 s18, $0x3;
	[sflag:s22] =	ssyncadd.s32 $0xFFFFD900  }
0xa8: {  	[hbm:s20], [sflag:s10] =	dma.local @!p0 [spmem:s11], $0x100  }
.Ltmp3:
0xa9: {  	_ = 	snop;
	(pc) =	sbr.rel @p1 .LBB2_1-.Ltmp3, $4  }
0xaa: {  	s10 =	simm.s32 @!p0 $0x3  }
0xab: {  	_ =	swait.ge @!p0 [sflag:s10], $0x100  }
0xac: {  	[sflag:s10] =	ssyncset.done @!p0 $0x0  }
0xad: {  	[sflag:s10] =	ssyncadd.s32 @!p0 $0xFFFFFF00  }
0xae: {  	_ =	sfence.sel $0x180000  }
0xaf: {  	[bflag:$0x0] =	sbarrier.arrive $0xFFFF  }
0xb0: {  	_ =	strace $0x90000047  }
0xb1: {  	[bflag:$0x2] =	sbarrier.arrive $0xFFFF  }
0xb2: {  	s0 =	rddreg [dreg:$0x5]  }
0xb3: {  	s0 =	sadd.s32 @!p0 $0x100000, s0  }
0xb4: {  	[sflag:s0] =	ssyncadd.tile.s32 @!p0 $0x1;
	_ =	shalt  }
.Lfunc_end2:
_tile_overlayer_lowered:
.L_overlay_start_2:
0xb5: {  	(tag) =	ssettag $0x2  }
0xb6: {  	s0 =	rddreg [dreg:$0x0];
	s2 =	stileid.u32  }
0xb7: {  	s1 =	rddreg [dreg:$0x1];
	p0 =	sne.s32 s2, $0x0  }
0xb8: {  	s3 =	rddreg [dreg:$0x2];
	[bflag:$0x3] =	sbarrier.arrive $0xFFFF;
	s2 =	simm.s32 @!p0 $0x1C03  }
0xb9: {  	[timem:s3], [sflag:s2] =	dma.local @!p0 [hbm:s0], s1  }
0xba: {  	s0 =	simm.s32 @!p0 $0x3  }
0xbb: {  	_ =	swait.ge @!p0 [sflag:s0], s1  }
0xbc: {  	s1 =	ssub.s32 @!p0 $0x0, s1;
	[sflag:s0] =	ssyncset.done @!p0 $0x0  }
0xbd: {  	[sflag:s0] =	ssyncadd.s32 @!p0 s1  }
0xbe: {  	[bflag:$0x3] =	sbarrier.arrive $0xFFFF  }
0xbf: {  	_ =	shalt  }

</sc_bundles>
